<compile_context>
chip_gen: v7x
topology: tpu7x:2x2x1
jax: 0.10.2.dev20260603
libtpu: 0.0.44.dev20260713+nightly
codegen_flags: <defaults>
</compile_context>

<pallas_src>
import jax
import jax.numpy as jnp
from jax import lax
from jax.experimental import pallas as pl
from jax.experimental.pallas import tpu as pltpu
from jax.experimental.pallas import tpu_sc as plsc

N = 10000
E = 320000
D = 128
NP = 10240
NC = 2
NS = 16
NW = NC * NS
BK = 80
EW = E // NW
NB = EW // BK
STRIPE = NP // NS

_mesh = plsc.VectorSubcoreMesh(core_axis_name="c", subcore_axis_name="s")


def _agg_body(y, eidx3, eidx4, zeros, aggp, srcv, dstv, buf0, agg_sp, sem0):
    c = lax.axis_index("c")
    s = lax.axis_index("s")
    wid = c * NS + s
    rows = pl.ds(s * STRIPE, STRIPE)
    pltpu.sync_copy(zeros.at[rows], agg_sp.at[rows])
    pltpu.sync_copy(eidx3.at[0, wid], srcv)
    pltpu.sync_copy(eidx4.at[1, wid], dstv)
    plsc.subcore_barrier()

    def body(j, carry):
        pltpu.async_copy(y.at[srcv.at[pl.ds(j * BK, BK)]], buf0, sem0).wait()
        pltpu.sync_copy(buf0, agg_sp.at[dstv.at[j]], add=True)
        return carry

    lax.fori_loop(0, NB, body, 0)
    plsc.subcore_barrier()
    pltpu.sync_copy(agg_sp.at[rows], aggp.at[c, rows])


_sc_agg = pl.kernel(
    _agg_body,
    out_type=jax.ShapeDtypeStruct((NC, NP, D), jnp.float32),
    mesh=_mesh,
    scratch_types=[
        pltpu.VMEM((EW,), jnp.int32),
        pltpu.VMEM((NB, BK), jnp.int32),
        pltpu.VMEM((BK, D), jnp.float32),
        pltpu.VMEM_SHARED((NP, D), jnp.float32),
        pltpu.SemaphoreType.DMA,
    ],
)


BN = 1024


def _first_body(degpo_ref, degpi_ref, feat_ref, w_ref, y_ref, sout_ref, sin_ref):
    dout = jnp.max(degpo_ref[0] + degpo_ref[1], axis=-1, keepdims=True)
    din = jnp.max(degpi_ref[0] + degpi_ref[1], axis=-1, keepdims=True)
    so = lax.rsqrt(jnp.maximum(dout, 1.0))
    si = lax.rsqrt(jnp.maximum(din, 1.0))
    sout_ref[...] = so
    sin_ref[...] = si
    y_ref[...] = jnp.dot(feat_ref[...] * so, w_ref[...],
                         preferred_element_type=jnp.float32)


def _tc_first(degpo, degpi, featp, w):
    return pl.pallas_call(
        _first_body,
        grid=(NP // BN,),
        in_specs=[
            pl.BlockSpec((NC, BN, D), lambda i: (0, i, 0)),
            pl.BlockSpec((NC, BN, D), lambda i: (0, i, 0)),
            pl.BlockSpec((BN, D), lambda i: (i, 0)),
            pl.BlockSpec((D, D), lambda i: (0, 0)),
        ],
        out_specs=[
            pl.BlockSpec((BN, D), lambda i: (i, 0)),
            pl.BlockSpec((BN, 1), lambda i: (i, 0)),
            pl.BlockSpec((BN, 1), lambda i: (i, 0)),
        ],
        out_shape=[
            jax.ShapeDtypeStruct((NP, D), jnp.float32),
            jax.ShapeDtypeStruct((NP, 1), jnp.float32),
            jax.ShapeDtypeStruct((NP, 1), jnp.float32),
        ],
    )(degpo, degpi, featp, w)


def _mid_body(aggp_ref, sin_ref, b_ref, sout_ref, w_ref, y_ref):
    a = aggp_ref[0] + aggp_ref[1]
    h = jnp.maximum(a * sin_ref[...] + b_ref[...], 0.0)
    y_ref[...] = jnp.dot(h * sout_ref[...], w_ref[...],
                         preferred_element_type=jnp.float32)


def _tc_mid(aggp, sin, b, sout, w):
    return pl.pallas_call(
        _mid_body,
        grid=(NP // BN,),
        in_specs=[
            pl.BlockSpec((NC, BN, D), lambda i: (0, i, 0)),
            pl.BlockSpec((BN, 1), lambda i: (i, 0)),
            pl.BlockSpec((1, D), lambda i: (0, 0)),
            pl.BlockSpec((BN, 1), lambda i: (i, 0)),
            pl.BlockSpec((D, D), lambda i: (0, 0)),
        ],
        out_specs=pl.BlockSpec((BN, D), lambda i: (i, 0)),
        out_shape=jax.ShapeDtypeStruct((NP, D), jnp.float32),
    )(aggp, sin, b, sout, w)


def _fin_body(aggp_ref, sin_ref, b_ref, out_ref):
    a = aggp_ref[0] + aggp_ref[1]
    out_ref[...] = a * sin_ref[...] + b_ref[...]


def _tc_fin(aggp, sin, b):
    return pl.pallas_call(
        _fin_body,
        grid=(NP // BN,),
        in_specs=[
            pl.BlockSpec((NC, BN, D), lambda i: (0, i, 0)),
            pl.BlockSpec((BN, 1), lambda i: (i, 0)),
            pl.BlockSpec((1, D), lambda i: (0, 0)),
        ],
        out_specs=pl.BlockSpec((BN, D), lambda i: (i, 0)),
        out_shape=jax.ShapeDtypeStruct((NP, D), jnp.float32),
    )(aggp, sin, b)


@jax.jit
def kernel(features, edge_index, W0, b0, W1, b1, W2, b2):
    eidx3 = edge_index.reshape(2, NW, EW)
    eidx4 = edge_index.reshape(2, NW, NB, BK)
    ei_sw = edge_index[::-1]
    eidx3s = ei_sw.reshape(2, NW, EW)
    eidx4s = ei_sw.reshape(2, NW, NB, BK)
    zeros = jnp.zeros((NP, D), jnp.float32)
    ones = jnp.ones((NP, D), jnp.float32)
    featp = jnp.pad(features, ((0, NP - N), (0, 0)))

    degpi = _sc_agg(ones, eidx3, eidx4, zeros)
    degpo = _sc_agg(ones, eidx3s, eidx4s, zeros)
    y0, sout, sin = _tc_first(degpo, degpi, featp, W0)
    aggp = _sc_agg(y0, eidx3, eidx4, zeros)
    y1 = _tc_mid(aggp, sin, b0.reshape(1, D), sout, W1)
    aggp = _sc_agg(y1, eidx3, eidx4, zeros)
    y2 = _tc_mid(aggp, sin, b1.reshape(1, D), sout, W2)
    aggp = _sc_agg(y2, eidx3, eidx4, zeros)
    out = _tc_fin(aggp, sin, b2.reshape(1, D))
    return out[:N]

# --- scband reference (transcript-rebuilt; emitter-appended) ---
"""Pipeline reference for scband-gcn-60533269069992 (READ-ONLY COPY).

The authoritative reference and input builder live on the scoring server;
editing this copy changes nothing except your own understanding.
"""

import jax, jax.numpy as jnp
import numpy as np

N = 10000
E = 320000
D_IN = 128
D_H = 128
D_OUT = 128


def setup_inputs(seed: int = 0) -> dict:
    key = jax.random.key(seed)
    ks = jax.random.split(key, 8)
    features = jax.random.normal(ks[0], (N, D_IN), dtype=jnp.float32)
    edge_index = jax.random.randint(ks[1], (2, E), 0, N, dtype=jnp.int32)
    W0 = jax.random.normal(ks[2], (D_IN, D_H), dtype=jnp.float32) * (1.0 / np.sqrt(D_IN))
    b0 = jnp.zeros((D_H,), dtype=jnp.float32)
    W1 = jax.random.normal(ks[3], (D_H, D_H), dtype=jnp.float32) * (1.0 / np.sqrt(D_H))
    b1 = jnp.zeros((D_H,), dtype=jnp.float32)
    W2 = jax.random.normal(ks[4], (D_H, D_OUT), dtype=jnp.float32) * (1.0 / np.sqrt(D_H))
    b2 = jnp.zeros((D_OUT,), dtype=jnp.float32)
    return {"features": features, "edge_index": edge_index, "W0": W0, "b0": b0, "W1": W1, "b1": b1, "W2": W2, "b2": b2}


def _graph_conv(h, W, b, src, dst, activation):
    # DGL GraphConv with norm='both': D_out^{-1/2} on src, sum-aggregate, D_in^{-1/2} on dst
    deg_out = jnp.clip(jnp.zeros((N,), jnp.float32).at[src].add(1.0), 1.0, None)
    h = h * jnp.power(deg_out, -0.5)[:, None]
    h = h @ W
    msgs = jnp.take(h, src, axis=0)
    agg = jnp.zeros((N, W.shape[1]), h.dtype).at[dst].add(msgs)
    deg_in = jnp.clip(jnp.zeros((N,), jnp.float32).at[dst].add(1.0), 1.0, None)
    agg = agg * jnp.power(deg_in, -0.5)[:, None]
    agg = agg + b
    if activation:
        agg = jax.nn.relu(agg)
    return agg


def reference(features, edge_index, W0, b0, W1, b1, W2, b2):
    src = edge_index[0]
    dst = edge_index[1]
    h = features
    # layer 0: in -> hidden, relu (dropout p=0.0 is identity)
    h = _graph_conv(h, W0, b0, src, dst, True)
    # layer 1: hidden -> hidden, relu
    h = _graph_conv(h, W1, b1, src, dst, True)
    # layer 2: hidden -> out, no activation
    h = _graph_conv(h, W2, b2, src, dst, False)
    return h

if __name__ == "__main__":
    import jax
    _d = setup_inputs()
    print(jax.jit(kernel)(*tuple(_d.values())))

</pallas_src>

<mosaic_0001>
#map = affine_map<(d0, d1) -> (0, 0)>
#map1 = affine_map<(d0, d1) -> (0, 0, 0)>
#map2 = affine_map<(d0, d1) -> (0, 0, 0, 0)>
module attributes {stable_mosaic.version = 14 : i64} {
  func.func @_agg_body(%arg0: i32, %arg1: i32, %arg2: memref<10240x128xf32, #tpu.memory_space<hbm>>, %arg3: memref<2x32x10000xi32, #tpu.memory_space<hbm>>, %arg4: memref<2x32x125x80xi32, #tpu.memory_space<hbm>>, %arg5: memref<10240x128xf32, #tpu.memory_space<hbm>>, %arg6: memref<2x10240x128xf32, #tpu.memory_space<hbm>>, %arg7: memref<10000xi32, #tpu.memory_space<vmem>>, %arg8: memref<125x80xi32, #tpu.memory_space<vmem>>, %arg9: memref<80x128xf32, #tpu.memory_space<vmem>>, %arg10: memref<10240x128xf32, #tpu.memory_space<vmem_shared>>, %arg11: memref<!tpu.dma_semaphore, #tpu.memory_space<semaphore_mem>>) attributes {dimension_semantics = [#tpu.dimension_semantics<core_parallel>, #tpu.dimension_semantics<subcore_parallel>], iteration_bounds = array<i64: 2, 16>, scalar_prefetch = 0 : i64, scratch_operands = 5 : i64, tpu.core_type = #tpu.core_type<sc_vector_subcore>, window_params = [{transform_indices = #map}, {transform_indices = #map1}, {transform_indices = #map2}, {transform_indices = #map}, {transform_indices = #map1}]} {
    %mul3A = arith.constant 16 : i32
    %mul3A_0 = arith.muli %arg0, %mul3A : i32
    %add3A = arith.addi %mul3A_0, %arg1 : i32
    %mul3A_1 = arith.constant 640 : i32
    %mul3A_2 = arith.muli %arg1, %mul3A_1 : i32
    "tpu.region"() ({
      %run_scoped3A_10 = tpu.sem_alloc : memref<!tpu.dma_semaphore, #tpu.memory_space<semaphore_mem>>
      %dma_start3A = arith.constant 0 : i32
      %dma_start3A_11 = tpu.memref_slice %arg10[%mul3A_2, %dma_start3A] : memref<10240x128xf32, #tpu.memory_space<vmem_shared>> -> memref<640x128xf32, #tpu.memory_space<vmem_shared>>
      %dma_start3A_12 = arith.constant 0 : i32
      %dma_start3A_13 = tpu.memref_slice %arg5[%mul3A_2, %dma_start3A_12] : memref<10240x128xf32, #tpu.memory_space<hbm>> -> memref<640x128xf32, #tpu.memory_space<hbm>>
      tpu.enqueue_dma source(%dma_start3A_13 : memref<640x128xf32, #tpu.memory_space<hbm>>) target(%dma_start3A_11 : memref<640x128xf32, #tpu.memory_space<vmem_shared>>) target_semaphore(%run_scoped3A_10 : memref<!tpu.dma_semaphore, #tpu.memory_space<semaphore_mem>>)
      %dma_wait3A = arith.constant 0 : i32
      %dma_wait3A_14 = tpu.memref_slice %arg10[%mul3A_2, %dma_wait3A] : memref<10240x128xf32, #tpu.memory_space<vmem_shared>> -> memref<640x128xf32, #tpu.memory_space<vmem_shared>>
      %dma_wait3A_15 = arith.constant 0 : i32
      %dma_wait3A_16 = tpu.memref_slice %arg5[%mul3A_2, %dma_wait3A_15] : memref<10240x128xf32, #tpu.memory_space<hbm>> -> memref<640x128xf32, #tpu.memory_space<hbm>>
      tpu.wait_dma2 semaphore(%run_scoped3A_10 : memref<!tpu.dma_semaphore, #tpu.memory_space<semaphore_mem>>) src(%dma_wait3A_16 : memref<640x128xf32, #tpu.memory_space<hbm>>) dst(%dma_wait3A_14 : memref<640x128xf32, #tpu.memory_space<vmem_shared>>)
      tpu.yield
    }) : () -> ()
    %run_scoped3A = arith.constant 0 : i32
    "tpu.region"() ({
      %run_scoped3A_10 = tpu.sem_alloc : memref<!tpu.dma_semaphore, #tpu.memory_space<semaphore_mem>>
      %dma_start3A = arith.constant 0 : i32
      %dma_start3A_11 = tpu.memref_slice %arg3[%run_scoped3A, %add3A, %dma_start3A] : memref<2x32x10000xi32, #tpu.memory_space<hbm>> -> memref<1x1x10000xi32, #tpu.memory_space<hbm>>
      %dma_start3A_12 = tpu.memref_squeeze %dma_start3A_11 : memref<1x1x10000xi32, #tpu.memory_space<hbm>> -> memref<10000xi32, #tpu.memory_space<hbm>>
      %dma_start3A_13 = arith.constant 0 : i32
      %dma_start3A_14 = tpu.memref_slice %arg3[%run_scoped3A, %add3A, %dma_start3A_13] : memref<2x32x10000xi32, #tpu.memory_space<hbm>> -> memref<1x1x10000xi32, #tpu.memory_space<hbm>>
      %dma_start3A_15 = tpu.memref_squeeze %dma_start3A_14 : memref<1x1x10000xi32, #tpu.memory_space<hbm>> -> memref<10000xi32, #tpu.memory_space<hbm>>
      tpu.enqueue_dma source(%dma_start3A_15 : memref<10000xi32, #tpu.memory_space<hbm>>) target(%arg7 : memref<10000xi32, #tpu.memory_space<vmem>>) target_semaphore(%run_scoped3A_10 : memref<!tpu.dma_semaphore, #tpu.memory_space<semaphore_mem>>)
      %dma_wait3A = arith.constant 0 : i32
      %dma_wait3A_16 = tpu.memref_slice %arg3[%run_scoped3A, %add3A, %dma_wait3A] : memref<2x32x10000xi32, #tpu.memory_space<hbm>> -> memref<1x1x10000xi32, #tpu.memory_space<hbm>>
      %dma_wait3A_17 = tpu.memref_squeeze %dma_wait3A_16 : memref<1x1x10000xi32, #tpu.memory_space<hbm>> -> memref<10000xi32, #tpu.memory_space<hbm>>
      %dma_wait3A_18 = arith.constant 0 : i32
      %dma_wait3A_19 = tpu.memref_slice %arg3[%run_scoped3A, %add3A, %dma_wait3A_18] : memref<2x32x10000xi32, #tpu.memory_space<hbm>> -> memref<1x1x10000xi32, #tpu.memory_space<hbm>>
      %dma_wait3A_20 = tpu.memref_squeeze %dma_wait3A_19 : memref<1x1x10000xi32, #tpu.memory_space<hbm>> -> memref<10000xi32, #tpu.memory_space<hbm>>
      tpu.wait_dma2 semaphore(%run_scoped3A_10 : memref<!tpu.dma_semaphore, #tpu.memory_space<semaphore_mem>>) src(%dma_wait3A_20 : memref<10000xi32, #tpu.memory_space<hbm>>) dst(%arg7 : memref<10000xi32, #tpu.memory_space<vmem>>)
      tpu.yield
    }) : () -> ()
    %run_scoped3A_3 = arith.constant 1 : i32
    "tpu.region"() ({
      %run_scoped3A_10 = tpu.sem_alloc : memref<!tpu.dma_semaphore, #tpu.memory_space<semaphore_mem>>
      %dma_start3A = arith.constant 0 : i32
      %dma_start3A_11 = arith.constant 0 : i32
      %dma_start3A_12 = tpu.memref_slice %arg4[%run_scoped3A_3, %add3A, %dma_start3A, %dma_start3A_11] : memref<2x32x125x80xi32, #tpu.memory_space<hbm>> -> memref<1x1x125x80xi32, #tpu.memory_space<hbm>>
      %dma_start3A_13 = tpu.memref_squeeze %dma_start3A_12 : memref<1x1x125x80xi32, #tpu.memory_space<hbm>> -> memref<125x80xi32, #tpu.memory_space<hbm>>
      %dma_start3A_14 = arith.constant 0 : i32
      %dma_start3A_15 = arith.constant 0 : i32
      %dma_start3A_16 = tpu.memref_slice %arg4[%run_scoped3A_3, %add3A, %dma_start3A_14, %dma_start3A_15] : memref<2x32x125x80xi32, #tpu.memory_space<hbm>> -> memref<1x1x125x80xi32, #tpu.memory_space<hbm>>
      %dma_start3A_17 = tpu.memref_squeeze %dma_start3A_16 : memref<1x1x125x80xi32, #tpu.memory_space<hbm>> -> memref<125x80xi32, #tpu.memory_space<hbm>>
      tpu.enqueue_dma source(%dma_start3A_17 : memref<125x80xi32, #tpu.memory_space<hbm>>) target(%arg8 : memref<125x80xi32, #tpu.memory_space<vmem>>) target_semaphore(%run_scoped3A_10 : memref<!tpu.dma_semaphore, #tpu.memory_space<semaphore_mem>>)
      %dma_wait3A = arith.constant 0 : i32
      %dma_wait3A_18 = arith.constant 0 : i32
      %dma_wait3A_19 = tpu.memref_slice %arg4[%run_scoped3A_3, %add3A, %dma_wait3A, %dma_wait3A_18] : memref<2x32x125x80xi32, #tpu.memory_space<hbm>> -> memref<1x1x125x80xi32, #tpu.memory_space<hbm>>
      %dma_wait3A_20 = tpu.memref_squeeze %dma_wait3A_19 : memref<1x1x125x80xi32, #tpu.memory_space<hbm>> -> memref<125x80xi32, #tpu.memory_space<hbm>>
      %dma_wait3A_21 = arith.constant 0 : i32
      %dma_wait3A_22 = arith.constant 0 : i32
      %dma_wait3A_23 = tpu.memref_slice %arg4[%run_scoped3A_3, %add3A, %dma_wait3A_21, %dma_wait3A_22] : memref<2x32x125x80xi32, #tpu.memory_space<hbm>> -> memref<1x1x125x80xi32, #tpu.memory_space<hbm>>
      %dma_wait3A_24 = tpu.memref_squeeze %dma_wait3A_23 : memref<1x1x125x80xi32, #tpu.memory_space<hbm>> -> memref<125x80xi32, #tpu.memory_space<hbm>>
      tpu.wait_dma2 semaphore(%run_scoped3A_10 : memref<!tpu.dma_semaphore, #tpu.memory_space<semaphore_mem>>) src(%dma_wait3A_24 : memref<125x80xi32, #tpu.memory_space<hbm>>) dst(%arg8 : memref<125x80xi32, #tpu.memory_space<vmem>>)
      tpu.yield
    }) : () -> ()
    %barrier3A = arith.constant 0 : index
    tpu.barrier barrier_id(%barrier3A)
    %scan3A = arith.constant 0 : i32
    %scan3A_4 = arith.constant 0 : i32
    %scan3A_5 = arith.constant 125 : i32
    %scan3A_6 = arith.addi %scan3A_4, %scan3A_5 : i32
    %scan3A_7 = arith.constant 1 : i32
    scf.for %scan3A_10 = %scan3A_4 to %scan3A_6 step %scan3A_7  : i32 {
      %mul3A_11 = arith.constant 80 : i32
      %mul3A_12 = arith.muli %scan3A_10, %mul3A_11 : i32
      %dma_start3A = tpu.memref_slice %arg7[%mul3A_12] : memref<10000xi32, #tpu.memory_space<vmem>> -> memref<80xi32, #tpu.memory_space<vmem>>
      %dma_start3A_13 = arith.constant 0 : i32
      %dma_start3A_14 = arith.constant 0 : i32
      %dma_start3A_15 = tpu.memref_slice %arg2[%dma_start3A_13, %dma_start3A_14] : memref<10240x128xf32, #tpu.memory_space<hbm>> -> memref<10240x128xf32, #tpu.memory_space<hbm>>
      tpu.enqueue_indirect_dma source(%dma_start3A_15 : memref<10240x128xf32, #tpu.memory_space<hbm>>) target(%arg9 : memref<80x128xf32, #tpu.memory_space<vmem>>) offsets(%dma_start3A : memref<80xi32, #tpu.memory_space<vmem>>) semaphore(%arg11 : memref<!tpu.dma_semaphore, #tpu.memory_space<semaphore_mem>>)
      %dma_wait3A = tpu.memref_slice %arg7[%mul3A_12] : memref<10000xi32, #tpu.memory_space<vmem>> -> memref<80xi32, #tpu.memory_space<vmem>>
      %dma_wait3A_16 = arith.constant 0 : i32
      %dma_wait3A_17 = arith.constant 0 : i32
      %dma_wait3A_18 = tpu.memref_slice %arg2[%dma_wait3A_16, %dma_wait3A_17] : memref<10240x128xf32, #tpu.memory_space<hbm>> -> memref<10240x128xf32, #tpu.memory_space<hbm>>
      tpu.wait_indirect_dma semaphore(%arg11 : memref<!tpu.dma_semaphore, #tpu.memory_space<semaphore_mem>>) src(%dma_wait3A_18 : memref<10240x128xf32, #tpu.memory_space<hbm>>) dst(%arg9 : memref<80x128xf32, #tpu.memory_space<vmem>>)
      "tpu.region"() ({
        %run_scoped3A_19 = tpu.sem_alloc : memref<!tpu.dma_semaphore, #tpu.memory_space<semaphore_mem>>
        %dma_start3A_20 = arith.constant 0 : i32
        %dma_start3A_21 = tpu.memref_slice %arg8[%scan3A_10, %dma_start3A_20] : memref<125x80xi32, #tpu.memory_space<vmem>> -> memref<1x80xi32, #tpu.memory_space<vmem>>
        %dma_start3A_22 = tpu.memref_squeeze %dma_start3A_21 : memref<1x80xi32, #tpu.memory_space<vmem>> -> memref<80xi32, #tpu.memory_space<vmem>>
        %dma_start3A_23 = arith.constant 0 : i32
        %dma_start3A_24 = arith.constant 0 : i32
        %dma_start3A_25 = tpu.memref_slice %arg10[%dma_start3A_23, %dma_start3A_24] : memref<10240x128xf32, #tpu.memory_space<vmem_shared>> -> memref<10240x128xf32, #tpu.memory_space<vmem_shared>>
        tpu.enqueue_indirect_dma source(%arg9 : memref<80x128xf32, #tpu.memory_space<vmem>>) target(%dma_start3A_25 : memref<10240x128xf32, #tpu.memory_space<vmem_shared>>) offsets(%dma_start3A_22 : memref<80xi32, #tpu.memory_space<vmem>>) semaphore(%run_scoped3A_19 : memref<!tpu.dma_semaphore, #tpu.memory_space<semaphore_mem>>) {add = true}
        %dma_wait3A_26 = arith.constant 0 : i32
        %dma_wait3A_27 = tpu.memref_slice %arg8[%scan3A_10, %dma_wait3A_26] : memref<125x80xi32, #tpu.memory_space<vmem>> -> memref<1x80xi32, #tpu.memory_space<vmem>>
        %dma_wait3A_28 = tpu.memref_squeeze %dma_wait3A_27 : memref<1x80xi32, #tpu.memory_space<vmem>> -> memref<80xi32, #tpu.memory_space<vmem>>
        %dma_wait3A_29 = arith.constant 0 : i32
        %dma_wait3A_30 = arith.constant 0 : i32
        %dma_wait3A_31 = tpu.memref_slice %arg10[%dma_wait3A_29, %dma_wait3A_30] : memref<10240x128xf32, #tpu.memory_space<vmem_shared>> -> memref<10240x128xf32, #tpu.memory_space<vmem_shared>>
        tpu.wait_indirect_dma semaphore(%run_scoped3A_19 : memref<!tpu.dma_semaphore, #tpu.memory_space<semaphore_mem>>) src(%arg9 : memref<80x128xf32, #tpu.memory_space<vmem>>) dst(%dma_wait3A_31 : memref<10240x128xf32, #tpu.memory_space<vmem_shared>>)
        tpu.yield
      }) : () -> ()
    }
    %scan3A_8 = arith.constant 125 : i32
    %barrier3A_9 = arith.constant 0 : index
    tpu.barrier barrier_id(%barrier3A_9)
    "tpu.region"() ({
      %run_scoped3A_10 = tpu.sem_alloc : memref<!tpu.dma_semaphore, #tpu.memory_space<semaphore_mem>>
      %dma_start3A = arith.constant 0 : i32
      %dma_start3A_11 = tpu.memref_slice %arg6[%arg0, %mul3A_2, %dma_start3A] : memref<2x10240x128xf32, #tpu.memory_space<hbm>> -> memref<1x640x128xf32, #tpu.memory_space<hbm>>
      %dma_start3A_12 = tpu.memref_squeeze %dma_start3A_11 : memref<1x640x128xf32, #tpu.memory_space<hbm>> -> memref<640x128xf32, #tpu.memory_space<hbm>>
      %dma_start3A_13 = arith.constant 0 : i32
      %dma_start3A_14 = tpu.memref_slice %arg10[%mul3A_2, %dma_start3A_13] : memref<10240x128xf32, #tpu.memory_space<vmem_shared>> -> memref<640x128xf32, #tpu.memory_space<vmem_shared>>
      tpu.enqueue_dma source(%dma_start3A_14 : memref<640x128xf32, #tpu.memory_space<vmem_shared>>) target(%dma_start3A_12 : memref<640x128xf32, #tpu.memory_space<hbm>>) target_semaphore(%run_scoped3A_10 : memref<!tpu.dma_semaphore, #tpu.memory_space<semaphore_mem>>)
      %dma_wait3A = arith.constant 0 : i32
      %dma_wait3A_15 = tpu.memref_slice %arg6[%arg0, %mul3A_2, %dma_wait3A] : memref<2x10240x128xf32, #tpu.memory_space<hbm>> -> memref<1x640x128xf32, #tpu.memory_space<hbm>>
      %dma_wait3A_16 = tpu.memref_squeeze %dma_wait3A_15 : memref<1x640x128xf32, #tpu.memory_space<hbm>> -> memref<640x128xf32, #tpu.memory_space<hbm>>
      %dma_wait3A_17 = arith.constant 0 : i32
      %dma_wait3A_18 = tpu.memref_slice %arg10[%mul3A_2, %dma_wait3A_17] : memref<10240x128xf32, #tpu.memory_space<vmem_shared>> -> memref<640x128xf32, #tpu.memory_space<vmem_shared>>
      tpu.wait_dma2 semaphore(%run_scoped3A_10 : memref<!tpu.dma_semaphore, #tpu.memory_space<semaphore_mem>>) src(%dma_wait3A_18 : memref<640x128xf32, #tpu.memory_space<vmem_shared>>) dst(%dma_wait3A_16 : memref<640x128xf32, #tpu.memory_space<hbm>>)
      tpu.yield
    }) : () -> ()
    return
  }
}

#map = affine_map<(d0, d1) -> (0, 0)>
#map1 = affine_map<(d0, d1) -> (0, 0, 0)>
#map2 = affine_map<(d0, d1) -> (0, 0, 0, 0)>
module attributes {stable_mosaic.version = 14 : i64} {
  func.func @_agg_body(%arg0: i32, %arg1: i32, %arg2: memref<10240x128xf32, #tpu.memory_space<hbm>>, %arg3: memref<2x32x10000xi32, #tpu.memory_space<hbm>>, %arg4: memref<2x32x125x80xi32, #tpu.memory_space<hbm>>, %arg5: memref<10240x128xf32, #tpu.memory_space<hbm>>, %arg6: memref<2x10240x128xf32, #tpu.memory_space<hbm>>, %arg7: memref<10000xi32, #tpu.memory_space<vmem>>, %arg8: memref<125x80xi32, #tpu.memory_space<vmem>>, %arg9: memref<80x128xf32, #tpu.memory_space<vmem>>, %arg10: memref<10240x128xf32, #tpu.memory_space<vmem_shared>>, %arg11: memref<!tpu.dma_semaphore, #tpu.memory_space<semaphore_mem>>) attributes {dimension_semantics = [#tpu.dimension_semantics<core_parallel>, #tpu.dimension_semantics<subcore_parallel>], iteration_bounds = array<i64: 2, 16>, scalar_prefetch = 0 : i64, scratch_operands = 5 : i64, tpu.core_type = #tpu.core_type<sc_vector_subcore>, window_params = [{transform_indices = #map}, {transform_indices = #map1}, {transform_indices = #map2}, {transform_indices = #map}, {transform_indices = #map1}]} {
    %mul3A = arith.constant 16 : i32
    %mul3A_0 = arith.muli %arg0, %mul3A : i32
    %add3A = arith.addi %mul3A_0, %arg1 : i32
    %mul3A_1 = arith.constant 640 : i32
    %mul3A_2 = arith.muli %arg1, %mul3A_1 : i32
    "tpu.region"() ({
      %run_scoped3A_10 = tpu.sem_alloc : memref<!tpu.dma_semaphore, #tpu.memory_space<semaphore_mem>>
      %dma_start3A = arith.constant 0 : i32
      %dma_start3A_11 = tpu.memref_slice %arg10[%mul3A_2, %dma_start3A] : memref<10240x128xf32, #tpu.memory_space<vmem_shared>> -> memref<640x128xf32, #tpu.memory_space<vmem_shared>>
      %dma_start3A_12 = arith.constant 0 : i32
      %dma_start3A_13 = tpu.memref_slice %arg5[%mul3A_2, %dma_start3A_12] : memref<10240x128xf32, #tpu.memory_space<hbm>> -> memref<640x128xf32, #tpu.memory_space<hbm>>
      tpu.enqueue_dma source(%dma_start3A_13 : memref<640x128xf32, #tpu.memory_space<hbm>>) target(%dma_start3A_11 : memref<640x128xf32, #tpu.memory_space<vmem_shared>>) target_semaphore(%run_scoped3A_10 : memref<!tpu.dma_semaphore, #tpu.memory_space<semaphore_mem>>)
      %dma_wait3A = arith.constant 0 : i32
      %dma_wait3A_14 = tpu.memref_slice %arg10[%mul3A_2, %dma_wait3A] : memref<10240x128xf32, #tpu.memory_space<vmem_shared>> -> memref<640x128xf32, #tpu.memory_space<vmem_shared>>
      %dma_wait3A_15 = arith.constant 0 : i32
      %dma_wait3A_16 = tpu.memref_slice %arg5[%mul3A_2, %dma_wait3A_15] : memref<10240x128xf32, #tpu.memory_space<hbm>> -> memref<640x128xf32, #tpu.memory_space<hbm>>
      tpu.wait_dma2 semaphore(%run_scoped3A_10 : memref<!tpu.dma_semaphore, #tpu.memory_space<semaphore_mem>>) src(%dma_wait3A_16 : memref<640x128xf32, #tpu.memory_space<hbm>>) dst(%dma_wait3A_14 : memref<640x128xf32, #tpu.memory_space<vmem_shared>>)
      tpu.yield
    }) : () -> ()
    %run_scoped3A = arith.constant 0 : i32
    "tpu.region"() ({
      %run_scoped3A_10 = tpu.sem_alloc : memref<!tpu.dma_semaphore, #tpu.memory_space<semaphore_mem>>
      %dma_start3A = arith.constant 0 : i32
      %dma_start3A_11 = tpu.memref_slice %arg3[%run_scoped3A, %add3A, %dma_start3A] : memref<2x32x10000xi32, #tpu.memory_space<hbm>> -> memref<1x1x10000xi32, #tpu.memory_space<hbm>>
      %dma_start3A_12 = tpu.memref_squeeze %dma_start3A_11 : memref<1x1x10000xi32, #tpu.memory_space<hbm>> -> memref<10000xi32, #tpu.memory_space<hbm>>
      %dma_start3A_13 = arith.constant 0 : i32
      %dma_start3A_14 = tpu.memref_slice %arg3[%run_scoped3A, %add3A, %dma_start3A_13] : memref<2x32x10000xi32, #tpu.memory_space<hbm>> -> memref<1x1x10000xi32, #tpu.memory_space<hbm>>
      %dma_start3A_15 = tpu.memref_squeeze %dma_start3A_14 : memref<1x1x10000xi32, #tpu.memory_space<hbm>> -> memref<10000xi32, #tpu.memory_space<hbm>>
      tpu.enqueue_dma source(%dma_start3A_15 : memref<10000xi32, #tpu.memory_space<hbm>>) target(%arg7 : memref<10000xi32, #tpu.memory_space<vmem>>) target_semaphore(%run_scoped3A_10 : memref<!tpu.dma_semaphore, #tpu.memory_space<semaphore_mem>>)
      %dma_wait3A = arith.constant 0 : i32
      %dma_wait3A_16 = tpu.memref_slice %arg3[%run_scoped3A, %add3A, %dma_wait3A] : memref<2x32x10000xi32, #tpu.memory_space<hbm>> -> memref<1x1x10000xi32, #tpu.memory_space<hbm>>
      %dma_wait3A_17 = tpu.memref_squeeze %dma_wait3A_16 : memref<1x1x10000xi32, #tpu.memory_space<hbm>> -> memref<10000xi32, #tpu.memory_space<hbm>>
      %dma_wait3A_18 = arith.constant 0 : i32
      %dma_wait3A_19 = tpu.memref_slice %arg3[%run_scoped3A, %add3A, %dma_wait3A_18] : memref<2x32x10000xi32, #tpu.memory_space<hbm>> -> memref<1x1x10000xi32, #tpu.memory_space<hbm>>
      %dma_wait3A_20 = tpu.memref_squeeze %dma_wait3A_19 : memref<1x1x10000xi32, #tpu.memory_space<hbm>> -> memref<10000xi32, #tpu.memory_space<hbm>>
      tpu.wait_dma2 semaphore(%run_scoped3A_10 : memref<!tpu.dma_semaphore, #tpu.memory_space<semaphore_mem>>) src(%dma_wait3A_20 : memref<10000xi32, #tpu.memory_space<hbm>>) dst(%arg7 : memref<10000xi32, #tpu.memory_space<vmem>>)
      tpu.yield
    }) : () -> ()
    %run_scoped3A_3 = arith.constant 1 : i32
    "tpu.region"() ({
      %run_scoped3A_10 = tpu.sem_alloc : memref<!tpu.dma_semaphore, #tpu.memory_space<semaphore_mem>>
      %dma_start3A = arith.constant 0 : i32
      %dma_start3A_11 = arith.constant 0 : i32
      %dma_start3A_12 = tpu.memref_slice %arg4[%run_scoped3A_3, %add3A, %dma_start3A, %dma_start3A_11] : memref<2x32x125x80xi32, #tpu.memory_space<hbm>> -> memref<1x1x125x80xi32, #tpu.memory_space<hbm>>
      %dma_start3A_13 = tpu.memref_squeeze %dma_start3A_12 : memref<1x1x125x80xi32, #tpu.memory_space<hbm>> -> memref<125x80xi32, #tpu.memory_space<hbm>>
      %dma_start3A_14 = arith.constant 0 : i32
      %dma_start3A_15 = arith.constant 0 : i32
      %dma_start3A_16 = tpu.memref_slice %arg4[%run_scoped3A_3, %add3A, %dma_start3A_14, %dma_start3A_15] : memref<2x32x125x80xi32, #tpu.memory_space<hbm>> -> memref<1x1x125x80xi32, #tpu.memory_space<hbm>>
      %dma_start3A_17 = tpu.memref_squeeze %dma_start3A_16 : memref<1x1x125x80xi32, #tpu.memory_space<hbm>> -> memref<125x80xi32, #tpu.memory_space<hbm>>
      tpu.enqueue_dma source(%dma_start3A_17 : memref<125x80xi32, #tpu.memory_space<hbm>>) target(%arg8 : memref<125x80xi32, #tpu.memory_space<vmem>>) target_semaphore(%run_scoped3A_10 : memref<!tpu.dma_semaphore, #tpu.memory_space<semaphore_mem>>)
      %dma_wait3A = arith.constant 0 : i32
      %dma_wait3A_18 = arith.constant 0 : i32
      %dma_wait3A_19 = tpu.memref_slice %arg4[%run_scoped3A_3, %add3A, %dma_wait3A, %dma_wait3A_18] : memref<2x32x125x80xi32, #tpu.memory_space<hbm>> -> memref<1x1x125x80xi32, #tpu.memory_space<hbm>>
      %dma_wait3A_20 = tpu.memref_squeeze %dma_wait3A_19 : memref<1x1x125x80xi32, #tpu.memory_space<hbm>> -> memref<125x80xi32, #tpu.memory_space<hbm>>
      %dma_wait3A_21 = arith.constant 0 : i32
      %dma_wait3A_22 = arith.constant 0 : i32
      %dma_wait3A_23 = tpu.memref_slice %arg4[%run_scoped3A_3, %add3A, %dma_wait3A_21, %dma_wait3A_22] : memref<2x32x125x80xi32, #tpu.memory_space<hbm>> -> memref<1x1x125x80xi32, #tpu.memory_space<hbm>>
      %dma_wait3A_24 = tpu.memref_squeeze %dma_wait3A_23 : memref<1x1x125x80xi32, #tpu.memory_space<hbm>> -> memref<125x80xi32, #tpu.memory_space<hbm>>
      tpu.wait_dma2 semaphore(%run_scoped3A_10 : memref<!tpu.dma_semaphore, #tpu.memory_space<semaphore_mem>>) src(%dma_wait3A_24 : memref<125x80xi32, #tpu.memory_space<hbm>>) dst(%arg8 : memref<125x80xi32, #tpu.memory_space<vmem>>)
      tpu.yield
    }) : () -> ()
    %barrier3A = arith.constant 0 : index
    tpu.barrier barrier_id(%barrier3A)
    %scan3A = arith.constant 0 : i32
    %scan3A_4 = arith.constant 0 : i32
    %scan3A_5 = arith.constant 125 : i32
    %scan3A_6 = arith.addi %scan3A_4, %scan3A_5 : i32
    %scan3A_7 = arith.constant 1 : i32
    scf.for %scan3A_10 = %scan3A_4 to %scan3A_6 step %scan3A_7  : i32 {
      %mul3A_11 = arith.constant 80 : i32
      %mul3A_12 = arith.muli %scan3A_10, %mul3A_11 : i32
      %dma_start3A = tpu.memref_slice %arg7[%mul3A_12] : memref<10000xi32, #tpu.memory_space<vmem>> -> memref<80xi32, #tpu.memory_space<vmem>>
      %dma_start3A_13 = arith.constant 0 : i32
      %dma_start3A_14 = arith.constant 0 : i32
      %dma_start3A_15 = tpu.memref_slice %arg2[%dma_start3A_13, %dma_start3A_14] : memref<10240x128xf32, #tpu.memory_space<hbm>> -> memref<10240x128xf32, #tpu.memory_space<hbm>>
      tpu.enqueue_indirect_dma source(%dma_start3A_15 : memref<10240x128xf32, #tpu.memory_space<hbm>>) target(%arg9 : memref<80x128xf32, #tpu.memory_space<vmem>>) offsets(%dma_start3A : memref<80xi32, #tpu.memory_space<vmem>>) semaphore(%arg11 : memref<!tpu.dma_semaphore, #tpu.memory_space<semaphore_mem>>)
      %dma_wait3A = tpu.memref_slice %arg7[%mul3A_12] : memref<10000xi32, #tpu.memory_space<vmem>> -> memref<80xi32, #tpu.memory_space<vmem>>
      %dma_wait3A_16 = arith.constant 0 : i32
      %dma_wait3A_17 = arith.constant 0 : i32
      %dma_wait3A_18 = tpu.memref_slice %arg2[%dma_wait3A_16, %dma_wait3A_17] : memref<10240x128xf32, #tpu.memory_space<hbm>> -> memref<10240x128xf32, #tpu.memory_space<hbm>>
      tpu.wait_indirect_dma semaphore(%arg11 : memref<!tpu.dma_semaphore, #tpu.memory_space<semaphore_mem>>) src(%dma_wait3A_18 : memref<10240x128xf32, #tpu.memory_space<hbm>>) dst(%arg9 : memref<80x128xf32, #tpu.memory_space<vmem>>)
      "tpu.region"() ({
        %run_scoped3A_19 = tpu.sem_alloc : memref<!tpu.dma_semaphore, #tpu.memory_space<semaphore_mem>>
        %dma_start3A_20 = arith.constant 0 : i32
        %dma_start3A_21 = tpu.memref_slice %arg8[%scan3A_10, %dma_start3A_20] : memref<125x80xi32, #tpu.memory_space<vmem>> -> memref<1x80xi32, #tpu.memory_space<vmem>>
        %dma_start3A_22 = tpu.memref_squeeze %dma_start3A_21 : memref<1x80xi32, #tpu.memory_space<vmem>> -> memref<80xi32, #tpu.memory_space<vmem>>
        %dma_start3A_23 = arith.constant 0 : i32
        %dma_start3A_24 = arith.constant 0 : i32
        %dma_start3A_25 = tpu.memref_slice %arg10[%dma_start3A_23, %dma_start3A_24] : memref<10240x128xf32, #tpu.memory_space<vmem_shared>> -> memref<10240x128xf32, #tpu.memory_space<vmem_shared>>
        tpu.enqueue_indirect_dma source(%arg9 : memref<80x128xf32, #tpu.memory_space<vmem>>) target(%dma_start3A_25 : memref<10240x128xf32, #tpu.memory_space<vmem_shared>>) offsets(%dma_start3A_22 : memref<80xi32, #tpu.memory_space<vmem>>) semaphore(%run_scoped3A_19 : memref<!tpu.dma_semaphore, #tpu.memory_space<semaphore_mem>>) {add = true}
        %dma_wait3A_26 = arith.constant 0 : i32
        %dma_wait3A_27 = tpu.memref_slice %arg8[%scan3A_10, %dma_wait3A_26] : memref<125x80xi32, #tpu.memory_space<vmem>> -> memref<1x80xi32, #tpu.memory_space<vmem>>
        %dma_wait3A_28 = tpu.memref_squeeze %dma_wait3A_27 : memref<1x80xi32, #tpu.memory_space<vmem>> -> memref<80xi32, #tpu.memory_space<vmem>>
        %dma_wait3A_29 = arith.constant 0 : i32
        %dma_wait3A_30 = arith.constant 0 : i32
        %dma_wait3A_31 = tpu.memref_slice %arg10[%dma_wait3A_29, %dma_wait3A_30] : memref<10240x128xf32, #tpu.memory_space<vmem_shared>> -> memref<10240x128xf32, #tpu.memory_space<vmem_shared>>
        tpu.wait_indirect_dma semaphore(%run_scoped3A_19 : memref<!tpu.dma_semaphore, #tpu.memory_space<semaphore_mem>>) src(%arg9 : memref<80x128xf32, #tpu.memory_space<vmem>>) dst(%dma_wait3A_31 : memref<10240x128xf32, #tpu.memory_space<vmem_shared>>)
        tpu.yield
      }) : () -> ()
    }
    %scan3A_8 = arith.constant 125 : i32
    %barrier3A_9 = arith.constant 0 : index
    tpu.barrier barrier_id(%barrier3A_9)
    "tpu.region"() ({
      %run_scoped3A_10 = tpu.sem_alloc : memref<!tpu.dma_semaphore, #tpu.memory_space<semaphore_mem>>
      %dma_start3A = arith.constant 0 : i32
      %dma_start3A_11 = tpu.memref_slice %arg6[%arg0, %mul3A_2, %dma_start3A] : memref<2x10240x128xf32, #tpu.memory_space<hbm>> -> memref<1x640x128xf32, #tpu.memory_space<hbm>>
      %dma_start3A_12 = tpu.memref_squeeze %dma_start3A_11 : memref<1x640x128xf32, #tpu.memory_space<hbm>> -> memref<640x128xf32, #tpu.memory_space<hbm>>
      %dma_start3A_13 = arith.constant 0 : i32
      %dma_start3A_14 = tpu.memref_slice %arg10[%mul3A_2, %dma_start3A_13] : memref<10240x128xf32, #tpu.memory_space<vmem_shared>> -> memref<640x128xf32, #tpu.memory_space<vmem_shared>>
      tpu.enqueue_dma source(%dma_start3A_14 : memref<640x128xf32, #tpu.memory_space<vmem_shared>>) target(%dma_start3A_12 : memref<640x128xf32, #tpu.memory_space<hbm>>) target_semaphore(%run_scoped3A_10 : memref<!tpu.dma_semaphore, #tpu.memory_space<semaphore_mem>>)
      %dma_wait3A = arith.constant 0 : i32
      %dma_wait3A_15 = tpu.memref_slice %arg6[%arg0, %mul3A_2, %dma_wait3A] : memref<2x10240x128xf32, #tpu.memory_space<hbm>> -> memref<1x640x128xf32, #tpu.memory_space<hbm>>
      %dma_wait3A_16 = tpu.memref_squeeze %dma_wait3A_15 : memref<1x640x128xf32, #tpu.memory_space<hbm>> -> memref<640x128xf32, #tpu.memory_space<hbm>>
      %dma_wait3A_17 = arith.constant 0 : i32
      %dma_wait3A_18 = tpu.memref_slice %arg10[%mul3A_2, %dma_wait3A_17] : memref<10240x128xf32, #tpu.memory_space<vmem_shared>> -> memref<640x128xf32, #tpu.memory_space<vmem_shared>>
      tpu.wait_dma2 semaphore(%run_scoped3A_10 : memref<!tpu.dma_semaphore, #tpu.memory_space<semaphore_mem>>) src(%dma_wait3A_18 : memref<640x128xf32, #tpu.memory_space<vmem_shared>>) dst(%dma_wait3A_16 : memref<640x128xf32, #tpu.memory_space<hbm>>)
      tpu.yield
    }) : () -> ()
    return
  }
}

#map = affine_map<(d0, d1) -> (0, 0)>
#map1 = affine_map<(d0, d1) -> (0, 0, 0)>
#map2 = affine_map<(d0, d1) -> (0, 0, 0, 0)>
module attributes {stable_mosaic.version = 14 : i64} {
  func.func @_agg_body(%arg0: i32, %arg1: i32, %arg2: memref<10240x128xf32, #tpu.memory_space<hbm>>, %arg3: memref<2x32x10000xi32, #tpu.memory_space<hbm>>, %arg4: memref<2x32x125x80xi32, #tpu.memory_space<hbm>>, %arg5: memref<10240x128xf32, #tpu.memory_space<hbm>>, %arg6: memref<2x10240x128xf32, #tpu.memory_space<hbm>>, %arg7: memref<10000xi32, #tpu.memory_space<vmem>>, %arg8: memref<125x80xi32, #tpu.memory_space<vmem>>, %arg9: memref<80x128xf32, #tpu.memory_space<vmem>>, %arg10: memref<10240x128xf32, #tpu.memory_space<vmem_shared>>, %arg11: memref<!tpu.dma_semaphore, #tpu.memory_space<semaphore_mem>>) attributes {dimension_semantics = [#tpu.dimension_semantics<core_parallel>, #tpu.dimension_semantics<subcore_parallel>], iteration_bounds = array<i64: 2, 16>, scalar_prefetch = 0 : i64, scratch_operands = 5 : i64, tpu.core_type = #tpu.core_type<sc_vector_subcore>, window_params = [{transform_indices = #map}, {transform_indices = #map1}, {transform_indices = #map2}, {transform_indices = #map}, {transform_indices = #map1}]} {
    %mul3A = arith.constant 16 : i32
    %mul3A_0 = arith.muli %arg0, %mul3A : i32
    %add3A = arith.addi %mul3A_0, %arg1 : i32
    %mul3A_1 = arith.constant 640 : i32
    %mul3A_2 = arith.muli %arg1, %mul3A_1 : i32
    "tpu.region"() ({
      %run_scoped3A_10 = tpu.sem_alloc : memref<!tpu.dma_semaphore, #tpu.memory_space<semaphore_mem>>
      %dma_start3A = arith.constant 0 : i32
      %dma_start3A_11 = tpu.memref_slice %arg10[%mul3A_2, %dma_start3A] : memref<10240x128xf32, #tpu.memory_space<vmem_shared>> -> memref<640x128xf32, #tpu.memory_space<vmem_shared>>
      %dma_start3A_12 = arith.constant 0 : i32
      %dma_start3A_13 = tpu.memref_slice %arg5[%mul3A_2, %dma_start3A_12] : memref<10240x128xf32, #tpu.memory_space<hbm>> -> memref<640x128xf32, #tpu.memory_space<hbm>>
      tpu.enqueue_dma source(%dma_start3A_13 : memref<640x128xf32, #tpu.memory_space<hbm>>) target(%dma_start3A_11 : memref<640x128xf32, #tpu.memory_space<vmem_shared>>) target_semaphore(%run_scoped3A_10 : memref<!tpu.dma_semaphore, #tpu.memory_space<semaphore_mem>>)
      %dma_wait3A = arith.constant 0 : i32
      %dma_wait3A_14 = tpu.memref_slice %arg10[%mul3A_2, %dma_wait3A] : memref<10240x128xf32, #tpu.memory_space<vmem_shared>> -> memref<640x128xf32, #tpu.memory_space<vmem_shared>>
      %dma_wait3A_15 = arith.constant 0 : i32
      %dma_wait3A_16 = tpu.memref_slice %arg5[%mul3A_2, %dma_wait3A_15] : memref<10240x128xf32, #tpu.memory_space<hbm>> -> memref<640x128xf32, #tpu.memory_space<hbm>>
      tpu.wait_dma2 semaphore(%run_scoped3A_10 : memref<!tpu.dma_semaphore, #tpu.memory_space<semaphore_mem>>) src(%dma_wait3A_16 : memref<640x128xf32, #tpu.memory_space<hbm>>) dst(%dma_wait3A_14 : memref<640x128xf32, #tpu.memory_space<vmem_shared>>)
      tpu.yield
    }) : () -> ()
    %run_scoped3A = arith.constant 0 : i32
    "tpu.region"() ({
      %run_scoped3A_10 = tpu.sem_alloc : memref<!tpu.dma_semaphore, #tpu.memory_space<semaphore_mem>>
      %dma_start3A = arith.constant 0 : i32
      %dma_start3A_11 = tpu.memref_slice %arg3[%run_scoped3A, %add3A, %dma_start3A] : memref<2x32x10000xi32, #tpu.memory_space<hbm>> -> memref<1x1x10000xi32, #tpu.memory_space<hbm>>
      %dma_start3A_12 = tpu.memref_squeeze %dma_start3A_11 : memref<1x1x10000xi32, #tpu.memory_space<hbm>> -> memref<10000xi32, #tpu.memory_space<hbm>>
      %dma_start3A_13 = arith.constant 0 : i32
      %dma_start3A_14 = tpu.memref_slice %arg3[%run_scoped3A, %add3A, %dma_start3A_13] : memref<2x32x10000xi32, #tpu.memory_space<hbm>> -> memref<1x1x10000xi32, #tpu.memory_space<hbm>>
      %dma_start3A_15 = tpu.memref_squeeze %dma_start3A_14 : memref<1x1x10000xi32, #tpu.memory_space<hbm>> -> memref<10000xi32, #tpu.memory_space<hbm>>
      tpu.enqueue_dma source(%dma_start3A_15 : memref<10000xi32, #tpu.memory_space<hbm>>) target(%arg7 : memref<10000xi32, #tpu.memory_space<vmem>>) target_semaphore(%run_scoped3A_10 : memref<!tpu.dma_semaphore, #tpu.memory_space<semaphore_mem>>)
      %dma_wait3A = arith.constant 0 : i32
      %dma_wait3A_16 = tpu.memref_slice %arg3[%run_scoped3A, %add3A, %dma_wait3A] : memref<2x32x10000xi32, #tpu.memory_space<hbm>> -> memref<1x1x10000xi32, #tpu.memory_space<hbm>>
      %dma_wait3A_17 = tpu.memref_squeeze %dma_wait3A_16 : memref<1x1x10000xi32, #tpu.memory_space<hbm>> -> memref<10000xi32, #tpu.memory_space<hbm>>
      %dma_wait3A_18 = arith.constant 0 : i32
      %dma_wait3A_19 = tpu.memref_slice %arg3[%run_scoped3A, %add3A, %dma_wait3A_18] : memref<2x32x10000xi32, #tpu.memory_space<hbm>> -> memref<1x1x10000xi32, #tpu.memory_space<hbm>>
      %dma_wait3A_20 = tpu.memref_squeeze %dma_wait3A_19 : memref<1x1x10000xi32, #tpu.memory_space<hbm>> -> memref<10000xi32, #tpu.memory_space<hbm>>
      tpu.wait_dma2 semaphore(%run_scoped3A_10 : memref<!tpu.dma_semaphore, #tpu.memory_space<semaphore_mem>>) src(%dma_wait3A_20 : memref<10000xi32, #tpu.memory_space<hbm>>) dst(%arg7 : memref<10000xi32, #tpu.memory_space<vmem>>)
      tpu.yield
    }) : () -> ()
    %run_scoped3A_3 = arith.constant 1 : i32
    "tpu.region"() ({
      %run_scoped3A_10 = tpu.sem_alloc : memref<!tpu.dma_semaphore, #tpu.memory_space<semaphore_mem>>
      %dma_start3A = arith.constant 0 : i32
      %dma_start3A_11 = arith.constant 0 : i32
      %dma_start3A_12 = tpu.memref_slice %arg4[%run_scoped3A_3, %add3A, %dma_start3A, %dma_start3A_11] : memref<2x32x125x80xi32, #tpu.memory_space<hbm>> -> memref<1x1x125x80xi32, #tpu.memory_space<hbm>>
      %dma_start3A_13 = tpu.memref_squeeze %dma_start3A_12 : memref<1x1x125x80xi32, #tpu.memory_space<hbm>> -> memref<125x80xi32, #tpu.memory_space<hbm>>
      %dma_start3A_14 = arith.constant 0 : i32
      %dma_start3A_15 = arith.constant 0 : i32
      %dma_start3A_16 = tpu.memref_slice %arg4[%run_scoped3A_3, %add3A, %dma_start3A_14, %dma_start3A_15] : memref<2x32x125x80xi32, #tpu.memory_space<hbm>> -> memref<1x1x125x80xi32, #tpu.memory_space<hbm>>
      %dma_start3A_17 = tpu.memref_squeeze %dma_start3A_16 : memref<1x1x125x80xi32, #tpu.memory_space<hbm>> -> memref<125x80xi32, #tpu.memory_space<hbm>>
      tpu.enqueue_dma source(%dma_start3A_17 : memref<125x80xi32, #tpu.memory_space<hbm>>) target(%arg8 : memref<125x80xi32, #tpu.memory_space<vmem>>) target_semaphore(%run_scoped3A_10 : memref<!tpu.dma_semaphore, #tpu.memory_space<semaphore_mem>>)
      %dma_wait3A = arith.constant 0 : i32
      %dma_wait3A_18 = arith.constant 0 : i32
      %dma_wait3A_19 = tpu.memref_slice %arg4[%run_scoped3A_3, %add3A, %dma_wait3A, %dma_wait3A_18] : memref<2x32x125x80xi32, #tpu.memory_space<hbm>> -> memref<1x1x125x80xi32, #tpu.memory_space<hbm>>
      %dma_wait3A_20 = tpu.memref_squeeze %dma_wait3A_19 : memref<1x1x125x80xi32, #tpu.memory_space<hbm>> -> memref<125x80xi32, #tpu.memory_space<hbm>>
      %dma_wait3A_21 = arith.constant 0 : i32
      %dma_wait3A_22 = arith.constant 0 : i32
      %dma_wait3A_23 = tpu.memref_slice %arg4[%run_scoped3A_3, %add3A, %dma_wait3A_21, %dma_wait3A_22] : memref<2x32x125x80xi32, #tpu.memory_space<hbm>> -> memref<1x1x125x80xi32, #tpu.memory_space<hbm>>
      %dma_wait3A_24 = tpu.memref_squeeze %dma_wait3A_23 : memref<1x1x125x80xi32, #tpu.memory_space<hbm>> -> memref<125x80xi32, #tpu.memory_space<hbm>>
      tpu.wait_dma2 semaphore(%run_scoped3A_10 : memref<!tpu.dma_semaphore, #tpu.memory_space<semaphore_mem>>) src(%dma_wait3A_24 : memref<125x80xi32, #tpu.memory_space<hbm>>) dst(%arg8 : memref<125x80xi32, #tpu.memory_space<vmem>>)
      tpu.yield
    }) : () -> ()
    %barrier3A = arith.constant 0 : index
    tpu.barrier barrier_id(%barrier3A)
    %scan3A = arith.constant 0 : i32
    %scan3A_4 = arith.constant 0 : i32
    %scan3A_5 = arith.constant 125 : i32
    %scan3A_6 = arith.addi %scan3A_4, %scan3A_5 : i32
    %scan3A_7 = arith.constant 1 : i32
    scf.for %scan3A_10 = %scan3A_4 to %scan3A_6 step %scan3A_7  : i32 {
      %mul3A_11 = arith.constant 80 : i32
      %mul3A_12 = arith.muli %scan3A_10, %mul3A_11 : i32
      %dma_start3A = tpu.memref_slice %arg7[%mul3A_12] : memref<10000xi32, #tpu.memory_space<vmem>> -> memref<80xi32, #tpu.memory_space<vmem>>
      %dma_start3A_13 = arith.constant 0 : i32
      %dma_start3A_14 = arith.constant 0 : i32
      %dma_start3A_15 = tpu.memref_slice %arg2[%dma_start3A_13, %dma_start3A_14] : memref<10240x128xf32, #tpu.memory_space<hbm>> -> memref<10240x128xf32, #tpu.memory_space<hbm>>
      tpu.enqueue_indirect_dma source(%dma_start3A_15 : memref<10240x128xf32, #tpu.memory_space<hbm>>) target(%arg9 : memref<80x128xf32, #tpu.memory_space<vmem>>) offsets(%dma_start3A : memref<80xi32, #tpu.memory_space<vmem>>) semaphore(%arg11 : memref<!tpu.dma_semaphore, #tpu.memory_space<semaphore_mem>>)
      %dma_wait3A = tpu.memref_slice %arg7[%mul3A_12] : memref<10000xi32, #tpu.memory_space<vmem>> -> memref<80xi32, #tpu.memory_space<vmem>>
      %dma_wait3A_16 = arith.constant 0 : i32
      %dma_wait3A_17 = arith.constant 0 : i32
      %dma_wait3A_18 = tpu.memref_slice %arg2[%dma_wait3A_16, %dma_wait3A_17] : memref<10240x128xf32, #tpu.memory_space<hbm>> -> memref<10240x128xf32, #tpu.memory_space<hbm>>
      tpu.wait_indirect_dma semaphore(%arg11 : memref<!tpu.dma_semaphore, #tpu.memory_space<semaphore_mem>>) src(%dma_wait3A_18 : memref<10240x128xf32, #tpu.memory_space<hbm>>) dst(%arg9 : memref<80x128xf32, #tpu.memory_space<vmem>>)
      "tpu.region"() ({
        %run_scoped3A_19 = tpu.sem_alloc : memref<!tpu.dma_semaphore, #tpu.memory_space<semaphore_mem>>
        %dma_start3A_20 = arith.constant 0 : i32
        %dma_start3A_21 = tpu.memref_slice %arg8[%scan3A_10, %dma_start3A_20] : memref<125x80xi32, #tpu.memory_space<vmem>> -> memref<1x80xi32, #tpu.memory_space<vmem>>
        %dma_start3A_22 = tpu.memref_squeeze %dma_start3A_21 : memref<1x80xi32, #tpu.memory_space<vmem>> -> memref<80xi32, #tpu.memory_space<vmem>>
        %dma_start3A_23 = arith.constant 0 : i32
        %dma_start3A_24 = arith.constant 0 : i32
        %dma_start3A_25 = tpu.memref_slice %arg10[%dma_start3A_23, %dma_start3A_24] : memref<10240x128xf32, #tpu.memory_space<vmem_shared>> -> memref<10240x128xf32, #tpu.memory_space<vmem_shared>>
        tpu.enqueue_indirect_dma source(%arg9 : memref<80x128xf32, #tpu.memory_space<vmem>>) target(%dma_start3A_25 : memref<10240x128xf32, #tpu.memory_space<vmem_shared>>) offsets(%dma_start3A_22 : memref<80xi32, #tpu.memory_space<vmem>>) semaphore(%run_scoped3A_19 : memref<!tpu.dma_semaphore, #tpu.memory_space<semaphore_mem>>) {add = true}
        %dma_wait3A_26 = arith.constant 0 : i32
        %dma_wait3A_27 = tpu.memref_slice %arg8[%scan3A_10, %dma_wait3A_26] : memref<125x80xi32, #tpu.memory_space<vmem>> -> memref<1x80xi32, #tpu.memory_space<vmem>>
        %dma_wait3A_28 = tpu.memref_squeeze %dma_wait3A_27 : memref<1x80xi32, #tpu.memory_space<vmem>> -> memref<80xi32, #tpu.memory_space<vmem>>
        %dma_wait3A_29 = arith.constant 0 : i32
        %dma_wait3A_30 = arith.constant 0 : i32
        %dma_wait3A_31 = tpu.memref_slice %arg10[%dma_wait3A_29, %dma_wait3A_30] : memref<10240x128xf32, #tpu.memory_space<vmem_shared>> -> memref<10240x128xf32, #tpu.memory_space<vmem_shared>>
        tpu.wait_indirect_dma semaphore(%run_scoped3A_19 : memref<!tpu.dma_semaphore, #tpu.memory_space<semaphore_mem>>) src(%arg9 : memref<80x128xf32, #tpu.memory_space<vmem>>) dst(%dma_wait3A_31 : memref<10240x128xf32, #tpu.memory_space<vmem_shared>>)
        tpu.yield
      }) : () -> ()
    }
    %scan3A_8 = arith.constant 125 : i32
    %barrier3A_9 = arith.constant 0 : index
    tpu.barrier barrier_id(%barrier3A_9)
    "tpu.region"() ({
      %run_scoped3A_10 = tpu.sem_alloc : memref<!tpu.dma_semaphore, #tpu.memory_space<semaphore_mem>>
      %dma_start3A = arith.constant 0 : i32
      %dma_start3A_11 = tpu.memref_slice %arg6[%arg0, %mul3A_2, %dma_start3A] : memref<2x10240x128xf32, #tpu.memory_space<hbm>> -> memref<1x640x128xf32, #tpu.memory_space<hbm>>
      %dma_start3A_12 = tpu.memref_squeeze %dma_start3A_11 : memref<1x640x128xf32, #tpu.memory_space<hbm>> -> memref<640x128xf32, #tpu.memory_space<hbm>>
      %dma_start3A_13 = arith.constant 0 : i32
      %dma_start3A_14 = tpu.memref_slice %arg10[%mul3A_2, %dma_start3A_13] : memref<10240x128xf32, #tpu.memory_space<vmem_shared>> -> memref<640x128xf32, #tpu.memory_space<vmem_shared>>
      tpu.enqueue_dma source(%dma_start3A_14 : memref<640x128xf32, #tpu.memory_space<vmem_shared>>) target(%dma_start3A_12 : memref<640x128xf32, #tpu.memory_space<hbm>>) target_semaphore(%run_scoped3A_10 : memref<!tpu.dma_semaphore, #tpu.memory_space<semaphore_mem>>)
      %dma_wait3A = arith.constant 0 : i32
      %dma_wait3A_15 = tpu.memref_slice %arg6[%arg0, %mul3A_2, %dma_wait3A] : memref<2x10240x128xf32, #tpu.memory_space<hbm>> -> memref<1x640x128xf32, #tpu.memory_space<hbm>>
      %dma_wait3A_16 = tpu.memref_squeeze %dma_wait3A_15 : memref<1x640x128xf32, #tpu.memory_space<hbm>> -> memref<640x128xf32, #tpu.memory_space<hbm>>
      %dma_wait3A_17 = arith.constant 0 : i32
      %dma_wait3A_18 = tpu.memref_slice %arg10[%mul3A_2, %dma_wait3A_17] : memref<10240x128xf32, #tpu.memory_space<vmem_shared>> -> memref<640x128xf32, #tpu.memory_space<vmem_shared>>
      tpu.wait_dma2 semaphore(%run_scoped3A_10 : memref<!tpu.dma_semaphore, #tpu.memory_space<semaphore_mem>>) src(%dma_wait3A_18 : memref<640x128xf32, #tpu.memory_space<vmem_shared>>) dst(%dma_wait3A_16 : memref<640x128xf32, #tpu.memory_space<hbm>>)
      tpu.yield
    }) : () -> ()
    return
  }
}

#map = affine_map<(d0, d1) -> (0, 0)>
#map1 = affine_map<(d0, d1) -> (0, 0, 0)>
#map2 = affine_map<(d0, d1) -> (0, 0, 0, 0)>
module attributes {stable_mosaic.version = 14 : i64} {
  func.func @_agg_body(%arg0: i32, %arg1: i32, %arg2: memref<10240x128xf32, #tpu.memory_space<hbm>>, %arg3: memref<2x32x10000xi32, #tpu.memory_space<hbm>>, %arg4: memref<2x32x125x80xi32, #tpu.memory_space<hbm>>, %arg5: memref<10240x128xf32, #tpu.memory_space<hbm>>, %arg6: memref<2x10240x128xf32, #tpu.memory_space<hbm>>, %arg7: memref<10000xi32, #tpu.memory_space<vmem>>, %arg8: memref<125x80xi32, #tpu.memory_space<vmem>>, %arg9: memref<80x128xf32, #tpu.memory_space<vmem>>, %arg10: memref<10240x128xf32, #tpu.memory_space<vmem_shared>>, %arg11: memref<!tpu.dma_semaphore, #tpu.memory_space<semaphore_mem>>) attributes {dimension_semantics = [#tpu.dimension_semantics<core_parallel>, #tpu.dimension_semantics<subcore_parallel>], iteration_bounds = array<i64: 2, 16>, scalar_prefetch = 0 : i64, scratch_operands = 5 : i64, tpu.core_type = #tpu.core_type<sc_vector_subcore>, window_params = [{transform_indices = #map}, {transform_indices = #map1}, {transform_indices = #map2}, {transform_indices = #map}, {transform_indices = #map1}]} {
    %mul3A = arith.constant 16 : i32
    %mul3A_0 = arith.muli %arg0, %mul3A : i32
    %add3A = arith.addi %mul3A_0, %arg1 : i32
    %mul3A_1 = arith.constant 640 : i32
    %mul3A_2 = arith.muli %arg1, %mul3A_1 : i32
    "tpu.region"() ({
      %run_scoped3A_10 = tpu.sem_alloc : memref<!tpu.dma_semaphore, #tpu.memory_space<semaphore_mem>>
      %dma_start3A = arith.constant 0 : i32
      %dma_start3A_11 = tpu.memref_slice %arg10[%mul3A_2, %dma_start3A] : memref<10240x128xf32, #tpu.memory_space<vmem_shared>> -> memref<640x128xf32, #tpu.memory_space<vmem_shared>>
      %dma_start3A_12 = arith.constant 0 : i32
      %dma_start3A_13 = tpu.memref_slice %arg5[%mul3A_2, %dma_start3A_12] : memref<10240x128xf32, #tpu.memory_space<hbm>> -> memref<640x128xf32, #tpu.memory_space<hbm>>
      tpu.enqueue_dma source(%dma_start3A_13 : memref<640x128xf32, #tpu.memory_space<hbm>>) target(%dma_start3A_11 : memref<640x128xf32, #tpu.memory_space<vmem_shared>>) target_semaphore(%run_scoped3A_10 : memref<!tpu.dma_semaphore, #tpu.memory_space<semaphore_mem>>)
      %dma_wait3A = arith.constant 0 : i32
      %dma_wait3A_14 = tpu.memref_slice %arg10[%mul3A_2, %dma_wait3A] : memref<10240x128xf32, #tpu.memory_space<vmem_shared>> -> memref<640x128xf32, #tpu.memory_space<vmem_shared>>
      %dma_wait3A_15 = arith.constant 0 : i32
      %dma_wait3A_16 = tpu.memref_slice %arg5[%mul3A_2, %dma_wait3A_15] : memref<10240x128xf32, #tpu.memory_space<hbm>> -> memref<640x128xf32, #tpu.memory_space<hbm>>
      tpu.wait_dma2 semaphore(%run_scoped3A_10 : memref<!tpu.dma_semaphore, #tpu.memory_space<semaphore_mem>>) src(%dma_wait3A_16 : memref<640x128xf32, #tpu.memory_space<hbm>>) dst(%dma_wait3A_14 : memref<640x128xf32, #tpu.memory_space<vmem_shared>>)
      tpu.yield
    }) : () -> ()
    %run_scoped3A = arith.constant 0 : i32
    "tpu.region"() ({
      %run_scoped3A_10 = tpu.sem_alloc : memref<!tpu.dma_semaphore, #tpu.memory_space<semaphore_mem>>
      %dma_start3A = arith.constant 0 : i32
      %dma_start3A_11 = tpu.memref_slice %arg3[%run_scoped3A, %add3A, %dma_start3A] : memref<2x32x10000xi32, #tpu.memory_space<hbm>> -> memref<1x1x10000xi32, #tpu.memory_space<hbm>>
      %dma_start3A_12 = tpu.memref_squeeze %dma_start3A_11 : memref<1x1x10000xi32, #tpu.memory_space<hbm>> -> memref<10000xi32, #tpu.memory_space<hbm>>
      %dma_start3A_13 = arith.constant 0 : i32
      %dma_start3A_14 = tpu.memref_slice %arg3[%run_scoped3A, %add3A, %dma_start3A_13] : memref<2x32x10000xi32, #tpu.memory_space<hbm>> -> memref<1x1x10000xi32, #tpu.memory_space<hbm>>
      %dma_start3A_15 = tpu.memref_squeeze %dma_start3A_14 : memref<1x1x10000xi32, #tpu.memory_space<hbm>> -> memref<10000xi32, #tpu.memory_space<hbm>>
      tpu.enqueue_dma source(%dma_start3A_15 : memref<10000xi32, #tpu.memory_space<hbm>>) target(%arg7 : memref<10000xi32, #tpu.memory_space<vmem>>) target_semaphore(%run_scoped3A_10 : memref<!tpu.dma_semaphore, #tpu.memory_space<semaphore_mem>>)
      %dma_wait3A = arith.constant 0 : i32
      %dma_wait3A_16 = tpu.memref_slice %arg3[%run_scoped3A, %add3A, %dma_wait3A] : memref<2x32x10000xi32, #tpu.memory_space<hbm>> -> memref<1x1x10000xi32, #tpu.memory_space<hbm>>
      %dma_wait3A_17 = tpu.memref_squeeze %dma_wait3A_16 : memref<1x1x10000xi32, #tpu.memory_space<hbm>> -> memref<10000xi32, #tpu.memory_space<hbm>>
      %dma_wait3A_18 = arith.constant 0 : i32
      %dma_wait3A_19 = tpu.memref_slice %arg3[%run_scoped3A, %add3A, %dma_wait3A_18] : memref<2x32x10000xi32, #tpu.memory_space<hbm>> -> memref<1x1x10000xi32, #tpu.memory_space<hbm>>
      %dma_wait3A_20 = tpu.memref_squeeze %dma_wait3A_19 : memref<1x1x10000xi32, #tpu.memory_space<hbm>> -> memref<10000xi32, #tpu.memory_space<hbm>>
      tpu.wait_dma2 semaphore(%run_scoped3A_10 : memref<!tpu.dma_semaphore, #tpu.memory_space<semaphore_mem>>) src(%dma_wait3A_20 : memref<10000xi32, #tpu.memory_space<hbm>>) dst(%arg7 : memref<10000xi32, #tpu.memory_space<vmem>>)
      tpu.yield
    }) : () -> ()
    %run_scoped3A_3 = arith.constant 1 : i32
    "tpu.region"() ({
      %run_scoped3A_10 = tpu.sem_alloc : memref<!tpu.dma_semaphore, #tpu.memory_space<semaphore_mem>>
      %dma_start3A = arith.constant 0 : i32
      %dma_start3A_11 = arith.constant 0 : i32
      %dma_start3A_12 = tpu.memref_slice %arg4[%run_scoped3A_3, %add3A, %dma_start3A, %dma_start3A_11] : memref<2x32x125x80xi32, #tpu.memory_space<hbm>> -> memref<1x1x125x80xi32, #tpu.memory_space<hbm>>
      %dma_start3A_13 = tpu.memref_squeeze %dma_start3A_12 : memref<1x1x125x80xi32, #tpu.memory_space<hbm>> -> memref<125x80xi32, #tpu.memory_space<hbm>>
      %dma_start3A_14 = arith.constant 0 : i32
      %dma_start3A_15 = arith.constant 0 : i32
      %dma_start3A_16 = tpu.memref_slice %arg4[%run_scoped3A_3, %add3A, %dma_start3A_14, %dma_start3A_15] : memref<2x32x125x80xi32, #tpu.memory_space<hbm>> -> memref<1x1x125x80xi32, #tpu.memory_space<hbm>>
      %dma_start3A_17 = tpu.memref_squeeze %dma_start3A_16 : memref<1x1x125x80xi32, #tpu.memory_space<hbm>> -> memref<125x80xi32, #tpu.memory_space<hbm>>
      tpu.enqueue_dma source(%dma_start3A_17 : memref<125x80xi32, #tpu.memory_space<hbm>>) target(%arg8 : memref<125x80xi32, #tpu.memory_space<vmem>>) target_semaphore(%run_scoped3A_10 : memref<!tpu.dma_semaphore, #tpu.memory_space<semaphore_mem>>)
      %dma_wait3A = arith.constant 0 : i32
      %dma_wait3A_18 = arith.constant 0 : i32
      %dma_wait3A_19 = tpu.memref_slice %arg4[%run_scoped3A_3, %add3A, %dma_wait3A, %dma_wait3A_18] : memref<2x32x125x80xi32, #tpu.memory_space<hbm>> -> memref<1x1x125x80xi32, #tpu.memory_space<hbm>>
      %dma_wait3A_20 = tpu.memref_squeeze %dma_wait3A_19 : memref<1x1x125x80xi32, #tpu.memory_space<hbm>> -> memref<125x80xi32, #tpu.memory_space<hbm>>
      %dma_wait3A_21 = arith.constant 0 : i32
      %dma_wait3A_22 = arith.constant 0 : i32
      %dma_wait3A_23 = tpu.memref_slice %arg4[%run_scoped3A_3, %add3A, %dma_wait3A_21, %dma_wait3A_22] : memref<2x32x125x80xi32, #tpu.memory_space<hbm>> -> memref<1x1x125x80xi32, #tpu.memory_space<hbm>>
      %dma_wait3A_24 = tpu.memref_squeeze %dma_wait3A_23 : memref<1x1x125x80xi32, #tpu.memory_space<hbm>> -> memref<125x80xi32, #tpu.memory_space<hbm>>
      tpu.wait_dma2 semaphore(%run_scoped3A_10 : memref<!tpu.dma_semaphore, #tpu.memory_space<semaphore_mem>>) src(%dma_wait3A_24 : memref<125x80xi32, #tpu.memory_space<hbm>>) dst(%arg8 : memref<125x80xi32, #tpu.memory_space<vmem>>)
      tpu.yield
    }) : () -> ()
    %barrier3A = arith.constant 0 : index
    tpu.barrier barrier_id(%barrier3A)
    %scan3A = arith.constant 0 : i32
    %scan3A_4 = arith.constant 0 : i32
    %scan3A_5 = arith.constant 125 : i32
    %scan3A_6 = arith.addi %scan3A_4, %scan3A_5 : i32
    %scan3A_7 = arith.constant 1 : i32
    scf.for %scan3A_10 = %scan3A_4 to %scan3A_6 step %scan3A_7  : i32 {
      %mul3A_11 = arith.constant 80 : i32
      %mul3A_12 = arith.muli %scan3A_10, %mul3A_11 : i32
      %dma_start3A = tpu.memref_slice %arg7[%mul3A_12] : memref<10000xi32, #tpu.memory_space<vmem>> -> memref<80xi32, #tpu.memory_space<vmem>>
      %dma_start3A_13 = arith.constant 0 : i32
      %dma_start3A_14 = arith.constant 0 : i32
      %dma_start3A_15 = tpu.memref_slice %arg2[%dma_start3A_13, %dma_start3A_14] : memref<10240x128xf32, #tpu.memory_space<hbm>> -> memref<10240x128xf32, #tpu.memory_space<hbm>>
      tpu.enqueue_indirect_dma source(%dma_start3A_15 : memref<10240x128xf32, #tpu.memory_space<hbm>>) target(%arg9 : memref<80x128xf32, #tpu.memory_space<vmem>>) offsets(%dma_start3A : memref<80xi32, #tpu.memory_space<vmem>>) semaphore(%arg11 : memref<!tpu.dma_semaphore, #tpu.memory_space<semaphore_mem>>)
      %dma_wait3A = tpu.memref_slice %arg7[%mul3A_12] : memref<10000xi32, #tpu.memory_space<vmem>> -> memref<80xi32, #tpu.memory_space<vmem>>
      %dma_wait3A_16 = arith.constant 0 : i32
      %dma_wait3A_17 = arith.constant 0 : i32
      %dma_wait3A_18 = tpu.memref_slice %arg2[%dma_wait3A_16, %dma_wait3A_17] : memref<10240x128xf32, #tpu.memory_space<hbm>> -> memref<10240x128xf32, #tpu.memory_space<hbm>>
      tpu.wait_indirect_dma semaphore(%arg11 : memref<!tpu.dma_semaphore, #tpu.memory_space<semaphore_mem>>) src(%dma_wait3A_18 : memref<10240x128xf32, #tpu.memory_space<hbm>>) dst(%arg9 : memref<80x128xf32, #tpu.memory_space<vmem>>)
      "tpu.region"() ({
        %run_scoped3A_19 = tpu.sem_alloc : memref<!tpu.dma_semaphore, #tpu.memory_space<semaphore_mem>>
        %dma_start3A_20 = arith.constant 0 : i32
        %dma_start3A_21 = tpu.memref_slice %arg8[%scan3A_10, %dma_start3A_20] : memref<125x80xi32, #tpu.memory_space<vmem>> -> memref<1x80xi32, #tpu.memory_space<vmem>>
        %dma_start3A_22 = tpu.memref_squeeze %dma_start3A_21 : memref<1x80xi32, #tpu.memory_space<vmem>> -> memref<80xi32, #tpu.memory_space<vmem>>
        %dma_start3A_23 = arith.constant 0 : i32
        %dma_start3A_24 = arith.constant 0 : i32
        %dma_start3A_25 = tpu.memref_slice %arg10[%dma_start3A_23, %dma_start3A_24] : memref<10240x128xf32, #tpu.memory_space<vmem_shared>> -> memref<10240x128xf32, #tpu.memory_space<vmem_shared>>
        tpu.enqueue_indirect_dma source(%arg9 : memref<80x128xf32, #tpu.memory_space<vmem>>) target(%dma_start3A_25 : memref<10240x128xf32, #tpu.memory_space<vmem_shared>>) offsets(%dma_start3A_22 : memref<80xi32, #tpu.memory_space<vmem>>) semaphore(%run_scoped3A_19 : memref<!tpu.dma_semaphore, #tpu.memory_space<semaphore_mem>>) {add = true}
        %dma_wait3A_26 = arith.constant 0 : i32
        %dma_wait3A_27 = tpu.memref_slice %arg8[%scan3A_10, %dma_wait3A_26] : memref<125x80xi32, #tpu.memory_space<vmem>> -> memref<1x80xi32, #tpu.memory_space<vmem>>
        %dma_wait3A_28 = tpu.memref_squeeze %dma_wait3A_27 : memref<1x80xi32, #tpu.memory_space<vmem>> -> memref<80xi32, #tpu.memory_space<vmem>>
        %dma_wait3A_29 = arith.constant 0 : i32
        %dma_wait3A_30 = arith.constant 0 : i32
        %dma_wait3A_31 = tpu.memref_slice %arg10[%dma_wait3A_29, %dma_wait3A_30] : memref<10240x128xf32, #tpu.memory_space<vmem_shared>> -> memref<10240x128xf32, #tpu.memory_space<vmem_shared>>
        tpu.wait_indirect_dma semaphore(%run_scoped3A_19 : memref<!tpu.dma_semaphore, #tpu.memory_space<semaphore_mem>>) src(%arg9 : memref<80x128xf32, #tpu.memory_space<vmem>>) dst(%dma_wait3A_31 : memref<10240x128xf32, #tpu.memory_space<vmem_shared>>)
        tpu.yield
      }) : () -> ()
    }
    %scan3A_8 = arith.constant 125 : i32
    %barrier3A_9 = arith.constant 0 : index
    tpu.barrier barrier_id(%barrier3A_9)
    "tpu.region"() ({
      %run_scoped3A_10 = tpu.sem_alloc : memref<!tpu.dma_semaphore, #tpu.memory_space<semaphore_mem>>
      %dma_start3A = arith.constant 0 : i32
      %dma_start3A_11 = tpu.memref_slice %arg6[%arg0, %mul3A_2, %dma_start3A] : memref<2x10240x128xf32, #tpu.memory_space<hbm>> -> memref<1x640x128xf32, #tpu.memory_space<hbm>>
      %dma_start3A_12 = tpu.memref_squeeze %dma_start3A_11 : memref<1x640x128xf32, #tpu.memory_space<hbm>> -> memref<640x128xf32, #tpu.memory_space<hbm>>
      %dma_start3A_13 = arith.constant 0 : i32
      %dma_start3A_14 = tpu.memref_slice %arg10[%mul3A_2, %dma_start3A_13] : memref<10240x128xf32, #tpu.memory_space<vmem_shared>> -> memref<640x128xf32, #tpu.memory_space<vmem_shared>>
      tpu.enqueue_dma source(%dma_start3A_14 : memref<640x128xf32, #tpu.memory_space<vmem_shared>>) target(%dma_start3A_12 : memref<640x128xf32, #tpu.memory_space<hbm>>) target_semaphore(%run_scoped3A_10 : memref<!tpu.dma_semaphore, #tpu.memory_space<semaphore_mem>>)
      %dma_wait3A = arith.constant 0 : i32
      %dma_wait3A_15 = tpu.memref_slice %arg6[%arg0, %mul3A_2, %dma_wait3A] : memref<2x10240x128xf32, #tpu.memory_space<hbm>> -> memref<1x640x128xf32, #tpu.memory_space<hbm>>
      %dma_wait3A_16 = tpu.memref_squeeze %dma_wait3A_15 : memref<1x640x128xf32, #tpu.memory_space<hbm>> -> memref<640x128xf32, #tpu.memory_space<hbm>>
      %dma_wait3A_17 = arith.constant 0 : i32
      %dma_wait3A_18 = tpu.memref_slice %arg10[%mul3A_2, %dma_wait3A_17] : memref<10240x128xf32, #tpu.memory_space<vmem_shared>> -> memref<640x128xf32, #tpu.memory_space<vmem_shared>>
      tpu.wait_dma2 semaphore(%run_scoped3A_10 : memref<!tpu.dma_semaphore, #tpu.memory_space<semaphore_mem>>) src(%dma_wait3A_18 : memref<640x128xf32, #tpu.memory_space<vmem_shared>>) dst(%dma_wait3A_16 : memref<640x128xf32, #tpu.memory_space<hbm>>)
      tpu.yield
    }) : () -> ()
    return
  }
}

#map = affine_map<(d0, d1) -> (0, 0)>
#map1 = affine_map<(d0, d1) -> (0, 0, 0)>
#map2 = affine_map<(d0, d1) -> (0, 0, 0, 0)>
module attributes {stable_mosaic.version = 14 : i64} {
  func.func @_agg_body(%arg0: i32, %arg1: i32, %arg2: memref<10240x128xf32, #tpu.memory_space<hbm>>, %arg3: memref<2x32x10000xi32, #tpu.memory_space<hbm>>, %arg4: memref<2x32x125x80xi32, #tpu.memory_space<hbm>>, %arg5: memref<10240x128xf32, #tpu.memory_space<hbm>>, %arg6: memref<2x10240x128xf32, #tpu.memory_space<hbm>>, %arg7: memref<10000xi32, #tpu.memory_space<vmem>>, %arg8: memref<125x80xi32, #tpu.memory_space<vmem>>, %arg9: memref<80x128xf32, #tpu.memory_space<vmem>>, %arg10: memref<10240x128xf32, #tpu.memory_space<vmem_shared>>, %arg11: memref<!tpu.dma_semaphore, #tpu.memory_space<semaphore_mem>>) attributes {dimension_semantics = [#tpu.dimension_semantics<core_parallel>, #tpu.dimension_semantics<subcore_parallel>], iteration_bounds = array<i64: 2, 16>, scalar_prefetch = 0 : i64, scratch_operands = 5 : i64, tpu.core_type = #tpu.core_type<sc_vector_subcore>, window_params = [{transform_indices = #map}, {transform_indices = #map1}, {transform_indices = #map2}, {transform_indices = #map}, {transform_indices = #map1}]} {
    %mul3A = arith.constant 16 : i32
    %mul3A_0 = arith.muli %arg0, %mul3A : i32
    %add3A = arith.addi %mul3A_0, %arg1 : i32
    %mul3A_1 = arith.constant 640 : i32
    %mul3A_2 = arith.muli %arg1, %mul3A_1 : i32
    "tpu.region"() ({
      %run_scoped3A_10 = tpu.sem_alloc : memref<!tpu.dma_semaphore, #tpu.memory_space<semaphore_mem>>
      %dma_start3A = arith.constant 0 : i32
      %dma_start3A_11 = tpu.memref_slice %arg10[%mul3A_2, %dma_start3A] : memref<10240x128xf32, #tpu.memory_space<vmem_shared>> -> memref<640x128xf32, #tpu.memory_space<vmem_shared>>
      %dma_start3A_12 = arith.constant 0 : i32
      %dma_start3A_13 = tpu.memref_slice %arg5[%mul3A_2, %dma_start3A_12] : memref<10240x128xf32, #tpu.memory_space<hbm>> -> memref<640x128xf32, #tpu.memory_space<hbm>>
      tpu.enqueue_dma source(%dma_start3A_13 : memref<640x128xf32, #tpu.memory_space<hbm>>) target(%dma_start3A_11 : memref<640x128xf32, #tpu.memory_space<vmem_shared>>) target_semaphore(%run_scoped3A_10 : memref<!tpu.dma_semaphore, #tpu.memory_space<semaphore_mem>>)
      %dma_wait3A = arith.constant 0 : i32
      %dma_wait3A_14 = tpu.memref_slice %arg10[%mul3A_2, %dma_wait3A] : memref<10240x128xf32, #tpu.memory_space<vmem_shared>> -> memref<640x128xf32, #tpu.memory_space<vmem_shared>>
      %dma_wait3A_15 = arith.constant 0 : i32
      %dma_wait3A_16 = tpu.memref_slice %arg5[%mul3A_2, %dma_wait3A_15] : memref<10240x128xf32, #tpu.memory_space<hbm>> -> memref<640x128xf32, #tpu.memory_space<hbm>>
      tpu.wait_dma2 semaphore(%run_scoped3A_10 : memref<!tpu.dma_semaphore, #tpu.memory_space<semaphore_mem>>) src(%dma_wait3A_16 : memref<640x128xf32, #tpu.memory_space<hbm>>) dst(%dma_wait3A_14 : memref<640x128xf32, #tpu.memory_space<vmem_shared>>)
      tpu.yield
    }) : () -> ()
    %run_scoped3A = arith.constant 0 : i32
    "tpu.region"() ({
      %run_scoped3A_10 = tpu.sem_alloc : memref<!tpu.dma_semaphore, #tpu.memory_space<semaphore_mem>>
      %dma_start3A = arith.constant 0 : i32
      %dma_start3A_11 = tpu.memref_slice %arg3[%run_scoped3A, %add3A, %dma_start3A] : memref<2x32x10000xi32, #tpu.memory_space<hbm>> -> memref<1x1x10000xi32, #tpu.memory_space<hbm>>
      %dma_start3A_12 = tpu.memref_squeeze %dma_start3A_11 : memref<1x1x10000xi32, #tpu.memory_space<hbm>> -> memref<10000xi32, #tpu.memory_space<hbm>>
      %dma_start3A_13 = arith.constant 0 : i32
      %dma_start3A_14 = tpu.memref_slice %arg3[%run_scoped3A, %add3A, %dma_start3A_13] : memref<2x32x10000xi32, #tpu.memory_space<hbm>> -> memref<1x1x10000xi32, #tpu.memory_space<hbm>>
      %dma_start3A_15 = tpu.memref_squeeze %dma_start3A_14 : memref<1x1x10000xi32, #tpu.memory_space<hbm>> -> memref<10000xi32, #tpu.memory_space<hbm>>
      tpu.enqueue_dma source(%dma_start3A_15 : memref<10000xi32, #tpu.memory_space<hbm>>) target(%arg7 : memref<10000xi32, #tpu.memory_space<vmem>>) target_semaphore(%run_scoped3A_10 : memref<!tpu.dma_semaphore, #tpu.memory_space<semaphore_mem>>)
      %dma_wait3A = arith.constant 0 : i32
      %dma_wait3A_16 = tpu.memref_slice %arg3[%run_scoped3A, %add3A, %dma_wait3A] : memref<2x32x10000xi32, #tpu.memory_space<hbm>> -> memref<1x1x10000xi32, #tpu.memory_space<hbm>>
      %dma_wait3A_17 = tpu.memref_squeeze %dma_wait3A_16 : memref<1x1x10000xi32, #tpu.memory_space<hbm>> -> memref<10000xi32, #tpu.memory_space<hbm>>
      %dma_wait3A_18 = arith.constant 0 : i32
      %dma_wait3A_19 = tpu.memref_slice %arg3[%run_scoped3A, %add3A, %dma_wait3A_18] : memref<2x32x10000xi32, #tpu.memory_space<hbm>> -> memref<1x1x10000xi32, #tpu.memory_space<hbm>>
      %dma_wait3A_20 = tpu.memref_squeeze %dma_wait3A_19 : memref<1x1x10000xi32, #tpu.memory_space<hbm>> -> memref<10000xi32, #tpu.memory_space<hbm>>
      tpu.wait_dma2 semaphore(%run_scoped3A_10 : memref<!tpu.dma_semaphore, #tpu.memory_space<semaphore_mem>>) src(%dma_wait3A_20 : memref<10000xi32, #tpu.memory_space<hbm>>) dst(%arg7 : memref<10000xi32, #tpu.memory_space<vmem>>)
      tpu.yield
    }) : () -> ()
    %run_scoped3A_3 = arith.constant 1 : i32
    "tpu.region"() ({
      %run_scoped3A_10 = tpu.sem_alloc : memref<!tpu.dma_semaphore, #tpu.memory_space<semaphore_mem>>
      %dma_start3A = arith.constant 0 : i32
      %dma_start3A_11 = arith.constant 0 : i32
      %dma_start3A_12 = tpu.memref_slice %arg4[%run_scoped3A_3, %add3A, %dma_start3A, %dma_start3A_11] : memref<2x32x125x80xi32, #tpu.memory_space<hbm>> -> memref<1x1x125x80xi32, #tpu.memory_space<hbm>>
      %dma_start3A_13 = tpu.memref_squeeze %dma_start3A_12 : memref<1x1x125x80xi32, #tpu.memory_space<hbm>> -> memref<125x80xi32, #tpu.memory_space<hbm>>
      %dma_start3A_14 = arith.constant 0 : i32
      %dma_start3A_15 = arith.constant 0 : i32
      %dma_start3A_16 = tpu.memref_slice %arg4[%run_scoped3A_3, %add3A, %dma_start3A_14, %dma_start3A_15] : memref<2x32x125x80xi32, #tpu.memory_space<hbm>> -> memref<1x1x125x80xi32, #tpu.memory_space<hbm>>
      %dma_start3A_17 = tpu.memref_squeeze %dma_start3A_16 : memref<1x1x125x80xi32, #tpu.memory_space<hbm>> -> memref<125x80xi32, #tpu.memory_space<hbm>>
      tpu.enqueue_dma source(%dma_start3A_17 : memref<125x80xi32, #tpu.memory_space<hbm>>) target(%arg8 : memref<125x80xi32, #tpu.memory_space<vmem>>) target_semaphore(%run_scoped3A_10 : memref<!tpu.dma_semaphore, #tpu.memory_space<semaphore_mem>>)
      %dma_wait3A = arith.constant 0 : i32
      %dma_wait3A_18 = arith.constant 0 : i32
      %dma_wait3A_19 = tpu.memref_slice %arg4[%run_scoped3A_3, %add3A, %dma_wait3A, %dma_wait3A_18] : memref<2x32x125x80xi32, #tpu.memory_space<hbm>> -> memref<1x1x125x80xi32, #tpu.memory_space<hbm>>
      %dma_wait3A_20 = tpu.memref_squeeze %dma_wait3A_19 : memref<1x1x125x80xi32, #tpu.memory_space<hbm>> -> memref<125x80xi32, #tpu.memory_space<hbm>>
      %dma_wait3A_21 = arith.constant 0 : i32
      %dma_wait3A_22 = arith.constant 0 : i32
      %dma_wait3A_23 = tpu.memref_slice %arg4[%run_scoped3A_3, %add3A, %dma_wait3A_21, %dma_wait3A_22] : memref<2x32x125x80xi32, #tpu.memory_space<hbm>> -> memref<1x1x125x80xi32, #tpu.memory_space<hbm>>
      %dma_wait3A_24 = tpu.memref_squeeze %dma_wait3A_23 : memref<1x1x125x80xi32, #tpu.memory_space<hbm>> -> memref<125x80xi32, #tpu.memory_space<hbm>>
      tpu.wait_dma2 semaphore(%run_scoped3A_10 : memref<!tpu.dma_semaphore, #tpu.memory_space<semaphore_mem>>) src(%dma_wait3A_24 : memref<125x80xi32, #tpu.memory_space<hbm>>) dst(%arg8 : memref<125x80xi32, #tpu.memory_space<vmem>>)
      tpu.yield
    }) : () -> ()
    %barrier3A = arith.constant 0 : index
    tpu.barrier barrier_id(%barrier3A)
    %scan3A = arith.constant 0 : i32
    %scan3A_4 = arith.constant 0 : i32
    %scan3A_5 = arith.constant 125 : i32
    %scan3A_6 = arith.addi %scan3A_4, %scan3A_5 : i32
    %scan3A_7 = arith.constant 1 : i32
    scf.for %scan3A_10 = %scan3A_4 to %scan3A_6 step %scan3A_7  : i32 {
      %mul3A_11 = arith.constant 80 : i32
      %mul3A_12 = arith.muli %scan3A_10, %mul3A_11 : i32
      %dma_start3A = tpu.memref_slice %arg7[%mul3A_12] : memref<10000xi32, #tpu.memory_space<vmem>> -> memref<80xi32, #tpu.memory_space<vmem>>
      %dma_start3A_13 = arith.constant 0 : i32
      %dma_start3A_14 = arith.constant 0 : i32
      %dma_start3A_15 = tpu.memref_slice %arg2[%dma_start3A_13, %dma_start3A_14] : memref<10240x128xf32, #tpu.memory_space<hbm>> -> memref<10240x128xf32, #tpu.memory_space<hbm>>
      tpu.enqueue_indirect_dma source(%dma_start3A_15 : memref<10240x128xf32, #tpu.memory_space<hbm>>) target(%arg9 : memref<80x128xf32, #tpu.memory_space<vmem>>) offsets(%dma_start3A : memref<80xi32, #tpu.memory_space<vmem>>) semaphore(%arg11 : memref<!tpu.dma_semaphore, #tpu.memory_space<semaphore_mem>>)
      %dma_wait3A = tpu.memref_slice %arg7[%mul3A_12] : memref<10000xi32, #tpu.memory_space<vmem>> -> memref<80xi32, #tpu.memory_space<vmem>>
      %dma_wait3A_16 = arith.constant 0 : i32
      %dma_wait3A_17 = arith.constant 0 : i32
      %dma_wait3A_18 = tpu.memref_slice %arg2[%dma_wait3A_16, %dma_wait3A_17] : memref<10240x128xf32, #tpu.memory_space<hbm>> -> memref<10240x128xf32, #tpu.memory_space<hbm>>
      tpu.wait_indirect_dma semaphore(%arg11 : memref<!tpu.dma_semaphore, #tpu.memory_space<semaphore_mem>>) src(%dma_wait3A_18 : memref<10240x128xf32, #tpu.memory_space<hbm>>) dst(%arg9 : memref<80x128xf32, #tpu.memory_space<vmem>>)
      "tpu.region"() ({
        %run_scoped3A_19 = tpu.sem_alloc : memref<!tpu.dma_semaphore, #tpu.memory_space<semaphore_mem>>
        %dma_start3A_20 = arith.constant 0 : i32
        %dma_start3A_21 = tpu.memref_slice %arg8[%scan3A_10, %dma_start3A_20] : memref<125x80xi32, #tpu.memory_space<vmem>> -> memref<1x80xi32, #tpu.memory_space<vmem>>
        %dma_start3A_22 = tpu.memref_squeeze %dma_start3A_21 : memref<1x80xi32, #tpu.memory_space<vmem>> -> memref<80xi32, #tpu.memory_space<vmem>>
        %dma_start3A_23 = arith.constant 0 : i32
        %dma_start3A_24 = arith.constant 0 : i32
        %dma_start3A_25 = tpu.memref_slice %arg10[%dma_start3A_23, %dma_start3A_24] : memref<10240x128xf32, #tpu.memory_space<vmem_shared>> -> memref<10240x128xf32, #tpu.memory_space<vmem_shared>>
        tpu.enqueue_indirect_dma source(%arg9 : memref<80x128xf32, #tpu.memory_space<vmem>>) target(%dma_start3A_25 : memref<10240x128xf32, #tpu.memory_space<vmem_shared>>) offsets(%dma_start3A_22 : memref<80xi32, #tpu.memory_space<vmem>>) semaphore(%run_scoped3A_19 : memref<!tpu.dma_semaphore, #tpu.memory_space<semaphore_mem>>) {add = true}
        %dma_wait3A_26 = arith.constant 0 : i32
        %dma_wait3A_27 = tpu.memref_slice %arg8[%scan3A_10, %dma_wait3A_26] : memref<125x80xi32, #tpu.memory_space<vmem>> -> memref<1x80xi32, #tpu.memory_space<vmem>>
        %dma_wait3A_28 = tpu.memref_squeeze %dma_wait3A_27 : memref<1x80xi32, #tpu.memory_space<vmem>> -> memref<80xi32, #tpu.memory_space<vmem>>
        %dma_wait3A_29 = arith.constant 0 : i32
        %dma_wait3A_30 = arith.constant 0 : i32
        %dma_wait3A_31 = tpu.memref_slice %arg10[%dma_wait3A_29, %dma_wait3A_30] : memref<10240x128xf32, #tpu.memory_space<vmem_shared>> -> memref<10240x128xf32, #tpu.memory_space<vmem_shared>>
        tpu.wait_indirect_dma semaphore(%run_scoped3A_19 : memref<!tpu.dma_semaphore, #tpu.memory_space<semaphore_mem>>) src(%arg9 : memref<80x128xf32, #tpu.memory_space<vmem>>) dst(%dma_wait3A_31 : memref<10240x128xf32, #tpu.memory_space<vmem_shared>>)
        tpu.yield
      }) : () -> ()
    }
    %scan3A_8 = arith.constant 125 : i32
    %barrier3A_9 = arith.constant 0 : index
    tpu.barrier barrier_id(%barrier3A_9)
    "tpu.region"() ({
      %run_scoped3A_10 = tpu.sem_alloc : memref<!tpu.dma_semaphore, #tpu.memory_space<semaphore_mem>>
      %dma_start3A = arith.constant 0 : i32
      %dma_start3A_11 = tpu.memref_slice %arg6[%arg0, %mul3A_2, %dma_start3A] : memref<2x10240x128xf32, #tpu.memory_space<hbm>> -> memref<1x640x128xf32, #tpu.memory_space<hbm>>
      %dma_start3A_12 = tpu.memref_squeeze %dma_start3A_11 : memref<1x640x128xf32, #tpu.memory_space<hbm>> -> memref<640x128xf32, #tpu.memory_space<hbm>>
      %dma_start3A_13 = arith.constant 0 : i32
      %dma_start3A_14 = tpu.memref_slice %arg10[%mul3A_2, %dma_start3A_13] : memref<10240x128xf32, #tpu.memory_space<vmem_shared>> -> memref<640x128xf32, #tpu.memory_space<vmem_shared>>
      tpu.enqueue_dma source(%dma_start3A_14 : memref<640x128xf32, #tpu.memory_space<vmem_shared>>) target(%dma_start3A_12 : memref<640x128xf32, #tpu.memory_space<hbm>>) target_semaphore(%run_scoped3A_10 : memref<!tpu.dma_semaphore, #tpu.memory_space<semaphore_mem>>)
      %dma_wait3A = arith.constant 0 : i32
      %dma_wait3A_15 = tpu.memref_slice %arg6[%arg0, %mul3A_2, %dma_wait3A] : memref<2x10240x128xf32, #tpu.memory_space<hbm>> -> memref<1x640x128xf32, #tpu.memory_space<hbm>>
      %dma_wait3A_16 = tpu.memref_squeeze %dma_wait3A_15 : memref<1x640x128xf32, #tpu.memory_space<hbm>> -> memref<640x128xf32, #tpu.memory_space<hbm>>
      %dma_wait3A_17 = arith.constant 0 : i32
      %dma_wait3A_18 = tpu.memref_slice %arg10[%mul3A_2, %dma_wait3A_17] : memref<10240x128xf32, #tpu.memory_space<vmem_shared>> -> memref<640x128xf32, #tpu.memory_space<vmem_shared>>
      tpu.wait_dma2 semaphore(%run_scoped3A_10 : memref<!tpu.dma_semaphore, #tpu.memory_space<semaphore_mem>>) src(%dma_wait3A_18 : memref<640x128xf32, #tpu.memory_space<vmem_shared>>) dst(%dma_wait3A_16 : memref<640x128xf32, #tpu.memory_space<hbm>>)
      tpu.yield
    }) : () -> ()
    return
  }
}

module attributes {stable_mosaic.version = 14 : i64} {
  func.func @_first_body(%arg0: i32, %arg1: memref<2x1024x128xf32, #tpu.memory_space<vmem>>, %arg2: memref<2x1024x128xf32, #tpu.memory_space<vmem>>, %arg3: memref<1024x128xf32, #tpu.memory_space<vmem>>, %arg4: memref<128x128xf32, #tpu.memory_space<vmem>>, %arg5: memref<1024x128xf32, #tpu.memory_space<vmem>>, %arg6: memref<1024x1xf32, #tpu.memory_space<vmem>>, %arg7: memref<1024x1xf32, #tpu.memory_space<vmem>>) attributes {dimension_semantics = [#tpu.dimension_semantics<arbitrary>], iteration_bounds = array<i64: 10>, scalar_prefetch = 0 : i64, scratch_operands = 0 : i64, tpu.core_type = #tpu.core_type<tc>, window_params = [{transform_indices = @transform_0, window_bounds = array<i64: 2, 1024, 128>}, {transform_indices = @transform_1, window_bounds = array<i64: 2, 1024, 128>}, {transform_indices = @transform_2, window_bounds = array<i64: 1024, 128>}, {pipeline_mode = #tpu.pipeline_mode<synchronous>, transform_indices = @transform_3, window_bounds = array<i64: 128, 128>}, {transform_indices = @transform_4, window_bounds = array<i64: 1024, 128>}, {transform_indices = @transform_5, window_bounds = array<i64: 1024, 1>}, {transform_indices = @transform_6, window_bounds = array<i64: 1024, 1>}]} {
    %get3A = arith.constant 0 : index
    %get3A_0 = arith.constant 0 : index
    %get3A_1 = arith.constant 0 : index
    %get3A_2 = vector.load %arg1[%get3A, %get3A_0, %get3A_1] : memref<2x1024x128xf32, #tpu.memory_space<vmem>>, vector<1x1024x128xf32>
    %get3A_3 = vector.shape_cast %get3A_2 : vector<1x1024x128xf32> to vector<1024x128xf32>
    %get3A_4 = arith.constant 1 : index
    %get3A_5 = arith.constant 0 : index
    %get3A_6 = arith.constant 0 : index
    %get3A_7 = vector.load %arg1[%get3A_4, %get3A_5, %get3A_6] : memref<2x1024x128xf32, #tpu.memory_space<vmem>>, vector<1x1024x128xf32>
    %get3A_8 = vector.shape_cast %get3A_7 : vector<1x1024x128xf32> to vector<1024x128xf32>
    %add3A = arith.addf %get3A_3, %get3A_8 : vector<1024x128xf32>
    %reduce_max3A = arith.constant dense<0xFF800000> : vector<1024xf32>
    %reduce_max3A_9 = vector.multi_reduction <maximumf>, %add3A, %reduce_max3A [1] : vector<1024x128xf32> to vector<1024xf32>
    %broadcast_in_dim3A = vector.shape_cast %reduce_max3A_9 : vector<1024xf32> to vector<1024x1xf32>
    %get3A_10 = arith.constant 0 : index
    %get3A_11 = arith.constant 0 : index
    %get3A_12 = arith.constant 0 : index
    %get3A_13 = vector.load %arg2[%get3A_10, %get3A_11, %get3A_12] : memref<2x1024x128xf32, #tpu.memory_space<vmem>>, vector<1x1024x128xf32>
    %get3A_14 = vector.shape_cast %get3A_13 : vector<1x1024x128xf32> to vector<1024x128xf32>
    %get3A_15 = arith.constant 1 : index
    %get3A_16 = arith.constant 0 : index
    %get3A_17 = arith.constant 0 : index
    %get3A_18 = vector.load %arg2[%get3A_15, %get3A_16, %get3A_17] : memref<2x1024x128xf32, #tpu.memory_space<vmem>>, vector<1x1024x128xf32>
    %get3A_19 = vector.shape_cast %get3A_18 : vector<1x1024x128xf32> to vector<1024x128xf32>
    %add3A_20 = arith.addf %get3A_14, %get3A_19 : vector<1024x128xf32>
    %reduce_max3A_21 = arith.constant dense<0xFF800000> : vector<1024xf32>
    %reduce_max3A_22 = vector.multi_reduction <maximumf>, %add3A_20, %reduce_max3A_21 [1] : vector<1024x128xf32> to vector<1024xf32>
    %broadcast_in_dim3A_23 = vector.shape_cast %reduce_max3A_22 : vector<1024xf32> to vector<1024x1xf32>
    %max3A = arith.constant 1.000000e+00 : f32
    %max3A_24 = vector.broadcast %max3A : f32 to vector<1024x1xf32>
    %max3A_25 = arith.maximumf %broadcast_in_dim3A, %max3A_24 : vector<1024x1xf32>
    %rsqrt3A = math.rsqrt %max3A_25 : vector<1024x1xf32>
    %max3A_26 = arith.constant 1.000000e+00 : f32
    %max3A_27 = vector.broadcast %max3A_26 : f32 to vector<1024x1xf32>
    %max3A_28 = arith.maximumf %broadcast_in_dim3A_23, %max3A_27 : vector<1024x1xf32>
    %rsqrt3A_29 = math.rsqrt %max3A_28 : vector<1024x1xf32>
    %swap3A = arith.constant 0 : index
    %swap3A_30 = arith.constant 0 : index
    %swap3A_31 = vector.load %arg6[%swap3A, %swap3A_30] : memref<1024x1xf32, #tpu.memory_space<vmem>>, vector<1024x1xf32>
    tpu.vector_store %arg6[%swap3A, %swap3A_30], %rsqrt3A {strides = array<i32>} : memref<1024x1xf32, #tpu.memory_space<vmem>>, vector<1024x1xf32>,
    %swap3A_32 = arith.constant 0 : index
    %swap3A_33 = arith.constant 0 : index
    %swap3A_34 = vector.load %arg7[%swap3A_32, %swap3A_33] : memref<1024x1xf32, #tpu.memory_space<vmem>>, vector<1024x1xf32>
    tpu.vector_store %arg7[%swap3A_32, %swap3A_33], %rsqrt3A_29 {strides = array<i32>} : memref<1024x1xf32, #tpu.memory_space<vmem>>, vector<1024x1xf32>,
    %get3A_35 = arith.constant 0 : index
    %get3A_36 = arith.constant 0 : index
    %get3A_37 = vector.load %arg3[%get3A_35, %get3A_36] : memref<1024x128xf32, #tpu.memory_space<vmem>>, vector<1024x128xf32>
    %mul3A = vector.broadcast %rsqrt3A : vector<1024x1xf32> to vector<1024x128xf32>
    %mul3A_38 = arith.mulf %get3A_37, %mul3A : vector<1024x128xf32>
    %get3A_39 = arith.constant 0 : index
    %get3A_40 = arith.constant 0 : index
    %get3A_41 = vector.load %arg4[%get3A_39, %get3A_40] : memref<128x128xf32, #tpu.memory_space<vmem>>, vector<128x128xf32>
    %dot_general3A = arith.constant dense<0.000000e+00> : vector<1024x128xf32>
    %dot_general3A_42 = tpu.matmul %mul3A_38, %get3A_41, %dot_general3A {dimension_numbers = #tpu.dot_dimension_numbers<[1], [0], [0], [1], [0, 0, 1, 1], [], []>, transpose_lhs_hint = false} : vector<1024x128xf32>, vector<128x128xf32>, vector<1024x128xf32> -> vector<1024x128xf32>
    %swap3A_43 = arith.constant 0 : index
    %swap3A_44 = arith.constant 0 : index
    %swap3A_45 = vector.load %arg5[%swap3A_43, %swap3A_44] : memref<1024x128xf32, #tpu.memory_space<vmem>>, vector<1024x128xf32>
    tpu.vector_store %arg5[%swap3A_43, %swap3A_44], %dot_general3A_42 {strides = array<i32>} : memref<1024x128xf32, #tpu.memory_space<vmem>>, vector<1024x128xf32>,
    return
  }
  func.func @transform_0(%arg0: i32) -> (i32, i32, i32) {
    %c0_i32 = arith.constant 0 : i32
    %c0_i32_0 = arith.constant 0 : i32
    %c0_i32_1 = arith.constant 0 : i32
    return %c0_i32, %arg0, %c0_i32_0 : i32, i32, i32
  }
  func.func @transform_1(%arg0: i32) -> (i32, i32, i32) {
    %c0_i32 = arith.constant 0 : i32
    %c0_i32_0 = arith.constant 0 : i32
    %c0_i32_1 = arith.constant 0 : i32
    return %c0_i32, %arg0, %c0_i32_0 : i32, i32, i32
  }
  func.func @transform_2(%arg0: i32) -> (i32, i32) {
    %c0_i32 = arith.constant 0 : i32
    %c0_i32_0 = arith.constant 0 : i32
    return %arg0, %c0_i32 : i32, i32
  }
  func.func @transform_3(%arg0: i32) -> (i32, i32) {
    %c0_i32 = arith.constant 0 : i32
    %c0_i32_0 = arith.constant 0 : i32
    %c0_i32_1 = arith.constant 0 : i32
    return %c0_i32, %c0_i32_0 : i32, i32
  }
  func.func @transform_4(%arg0: i32) -> (i32, i32) {
    %c0_i32 = arith.constant 0 : i32
    %c0_i32_0 = arith.constant 0 : i32
    return %arg0, %c0_i32 : i32, i32
  }
  func.func @transform_5(%arg0: i32) -> (i32, i32) {
    %c0_i32 = arith.constant 0 : i32
    %c0_i32_0 = arith.constant 0 : i32
    return %arg0, %c0_i32 : i32, i32
  }
  func.func @transform_6(%arg0: i32) -> (i32, i32) {
    %c0_i32 = arith.constant 0 : i32
    %c0_i32_0 = arith.constant 0 : i32
    return %arg0, %c0_i32 : i32, i32
  }
}

module attributes {stable_mosaic.version = 14 : i64} {
  func.func @_mid_body(%arg0: i32, %arg1: memref<2x1024x128xf32, #tpu.memory_space<vmem>>, %arg2: memref<1024x1xf32, #tpu.memory_space<vmem>>, %arg3: memref<1x128xf32, #tpu.memory_space<vmem>>, %arg4: memref<1024x1xf32, #tpu.memory_space<vmem>>, %arg5: memref<128x128xf32, #tpu.memory_space<vmem>>, %arg6: memref<1024x128xf32, #tpu.memory_space<vmem>>) attributes {dimension_semantics = [#tpu.dimension_semantics<arbitrary>], iteration_bounds = array<i64: 10>, scalar_prefetch = 0 : i64, scratch_operands = 0 : i64, tpu.core_type = #tpu.core_type<tc>, window_params = [{transform_indices = @transform_0, window_bounds = array<i64: 2, 1024, 128>}, {transform_indices = @transform_1, window_bounds = array<i64: 1024, 1>}, {pipeline_mode = #tpu.pipeline_mode<synchronous>, transform_indices = @transform_2, window_bounds = array<i64: 1, 128>}, {transform_indices = @transform_3, window_bounds = array<i64: 1024, 1>}, {pipeline_mode = #tpu.pipeline_mode<synchronous>, transform_indices = @transform_4, window_bounds = array<i64: 128, 128>}, {transform_indices = @transform_5, window_bounds = array<i64: 1024, 128>}]} {
    %get3A = arith.constant 0 : index
    %get3A_0 = arith.constant 0 : index
    %get3A_1 = arith.constant 0 : index
    %get3A_2 = vector.load %arg1[%get3A, %get3A_0, %get3A_1] : memref<2x1024x128xf32, #tpu.memory_space<vmem>>, vector<1x1024x128xf32>
    %get3A_3 = vector.shape_cast %get3A_2 : vector<1x1024x128xf32> to vector<1024x128xf32>
    %get3A_4 = arith.constant 1 : index
    %get3A_5 = arith.constant 0 : index
    %get3A_6 = arith.constant 0 : index
    %get3A_7 = vector.load %arg1[%get3A_4, %get3A_5, %get3A_6] : memref<2x1024x128xf32, #tpu.memory_space<vmem>>, vector<1x1024x128xf32>
    %get3A_8 = vector.shape_cast %get3A_7 : vector<1x1024x128xf32> to vector<1024x128xf32>
    %add3A = arith.addf %get3A_3, %get3A_8 : vector<1024x128xf32>
    %get3A_9 = arith.constant 0 : index
    %get3A_10 = arith.constant 0 : index
    %get3A_11 = vector.load %arg2[%get3A_9, %get3A_10] : memref<1024x1xf32, #tpu.memory_space<vmem>>, vector<1024x1xf32>
    %mul3A = vector.broadcast %get3A_11 : vector<1024x1xf32> to vector<1024x128xf32>
    %mul3A_12 = arith.mulf %add3A, %mul3A : vector<1024x128xf32>
    %get3A_13 = arith.constant 0 : index
    %get3A_14 = arith.constant 0 : index
    %get3A_15 = vector.load %arg3[%get3A_13, %get3A_14] : memref<1x128xf32, #tpu.memory_space<vmem>>, vector<1x128xf32>
    %add3A_16 = vector.broadcast %get3A_15 : vector<1x128xf32> to vector<1024x128xf32>
    %add3A_17 = arith.addf %mul3A_12, %add3A_16 : vector<1024x128xf32>
    %max3A = arith.constant 0.000000e+00 : f32
    %max3A_18 = vector.broadcast %max3A : f32 to vector<1024x128xf32>
    %max3A_19 = arith.maximumf %add3A_17, %max3A_18 : vector<1024x128xf32>
    %get3A_20 = arith.constant 0 : index
    %get3A_21 = arith.constant 0 : index
    %get3A_22 = vector.load %arg4[%get3A_20, %get3A_21] : memref<1024x1xf32, #tpu.memory_space<vmem>>, vector<1024x1xf32>
    %mul3A_23 = vector.broadcast %get3A_22 : vector<1024x1xf32> to vector<1024x128xf32>
    %mul3A_24 = arith.mulf %max3A_19, %mul3A_23 : vector<1024x128xf32>
    %get3A_25 = arith.constant 0 : index
    %get3A_26 = arith.constant 0 : index
    %get3A_27 = vector.load %arg5[%get3A_25, %get3A_26] : memref<128x128xf32, #tpu.memory_space<vmem>>, vector<128x128xf32>
    %dot_general3A = arith.constant dense<0.000000e+00> : vector<1024x128xf32>
    %dot_general3A_28 = tpu.matmul %mul3A_24, %get3A_27, %dot_general3A {dimension_numbers = #tpu.dot_dimension_numbers<[1], [0], [0], [1], [0, 0, 1, 1], [], []>, transpose_lhs_hint = false} : vector<1024x128xf32>, vector<128x128xf32>, vector<1024x128xf32> -> vector<1024x128xf32>
    %swap3A = arith.constant 0 : index
    %swap3A_29 = arith.constant 0 : index
    %swap3A_30 = vector.load %arg6[%swap3A, %swap3A_29] : memref<1024x128xf32, #tpu.memory_space<vmem>>, vector<1024x128xf32>
    tpu.vector_store %arg6[%swap3A, %swap3A_29], %dot_general3A_28 {strides = array<i32>} : memref<1024x128xf32, #tpu.memory_space<vmem>>, vector<1024x128xf32>,
    return
  }
  func.func @transform_0(%arg0: i32) -> (i32, i32, i32) {
    %c0_i32 = arith.constant 0 : i32
    %c0_i32_0 = arith.constant 0 : i32
    %c0_i32_1 = arith.constant 0 : i32
    return %c0_i32, %arg0, %c0_i32_0 : i32, i32, i32
  }
  func.func @transform_1(%arg0: i32) -> (i32, i32) {
    %c0_i32 = arith.constant 0 : i32
    %c0_i32_0 = arith.constant 0 : i32
    return %arg0, %c0_i32 : i32, i32
  }
  func.func @transform_2(%arg0: i32) -> (i32, i32) {
    %c0_i32 = arith.constant 0 : i32
    %c0_i32_0 = arith.constant 0 : i32
    %c0_i32_1 = arith.constant 0 : i32
    return %c0_i32, %c0_i32_0 : i32, i32
  }
  func.func @transform_3(%arg0: i32) -> (i32, i32) {
    %c0_i32 = arith.constant 0 : i32
    %c0_i32_0 = arith.constant 0 : i32
    return %arg0, %c0_i32 : i32, i32
  }
  func.func @transform_4(%arg0: i32) -> (i32, i32) {
    %c0_i32 = arith.constant 0 : i32
    %c0_i32_0 = arith.constant 0 : i32
    %c0_i32_1 = arith.constant 0 : i32
    return %c0_i32, %c0_i32_0 : i32, i32
  }
  func.func @transform_5(%arg0: i32) -> (i32, i32) {
    %c0_i32 = arith.constant 0 : i32
    %c0_i32_0 = arith.constant 0 : i32
    return %arg0, %c0_i32 : i32, i32
  }
}

module attributes {stable_mosaic.version = 14 : i64} {
  func.func @_fin_body(%arg0: i32, %arg1: memref<2x1024x128xf32, #tpu.memory_space<vmem>>, %arg2: memref<1024x1xf32, #tpu.memory_space<vmem>>, %arg3: memref<1x128xf32, #tpu.memory_space<vmem>>, %arg4: memref<1024x128xf32, #tpu.memory_space<vmem>>) attributes {dimension_semantics = [#tpu.dimension_semantics<arbitrary>], iteration_bounds = array<i64: 10>, scalar_prefetch = 0 : i64, scratch_operands = 0 : i64, tpu.core_type = #tpu.core_type<tc>, window_params = [{transform_indices = @transform_0, window_bounds = array<i64: 2, 1024, 128>}, {transform_indices = @transform_1, window_bounds = array<i64: 1024, 1>}, {pipeline_mode = #tpu.pipeline_mode<synchronous>, transform_indices = @transform_2, window_bounds = array<i64: 1, 128>}, {transform_indices = @transform_3, window_bounds = array<i64: 1024, 128>}]} {
    %get3A = arith.constant 0 : index
    %get3A_0 = arith.constant 0 : index
    %get3A_1 = arith.constant 0 : index
    %get3A_2 = vector.load %arg1[%get3A, %get3A_0, %get3A_1] : memref<2x1024x128xf32, #tpu.memory_space<vmem>>, vector<1x1024x128xf32>
    %get3A_3 = vector.shape_cast %get3A_2 : vector<1x1024x128xf32> to vector<1024x128xf32>
    %get3A_4 = arith.constant 1 : index
    %get3A_5 = arith.constant 0 : index
    %get3A_6 = arith.constant 0 : index
    %get3A_7 = vector.load %arg1[%get3A_4, %get3A_5, %get3A_6] : memref<2x1024x128xf32, #tpu.memory_space<vmem>>, vector<1x1024x128xf32>
    %get3A_8 = vector.shape_cast %get3A_7 : vector<1x1024x128xf32> to vector<1024x128xf32>
    %add3A = arith.addf %get3A_3, %get3A_8 : vector<1024x128xf32>
    %get3A_9 = arith.constant 0 : index
    %get3A_10 = arith.constant 0 : index
    %get3A_11 = vector.load %arg2[%get3A_9, %get3A_10] : memref<1024x1xf32, #tpu.memory_space<vmem>>, vector<1024x1xf32>
    %mul3A = vector.broadcast %get3A_11 : vector<1024x1xf32> to vector<1024x128xf32>
    %mul3A_12 = arith.mulf %add3A, %mul3A : vector<1024x128xf32>
    %get3A_13 = arith.constant 0 : index
    %get3A_14 = arith.constant 0 : index
    %get3A_15 = vector.load %arg3[%get3A_13, %get3A_14] : memref<1x128xf32, #tpu.memory_space<vmem>>, vector<1x128xf32>
    %add3A_16 = vector.broadcast %get3A_15 : vector<1x128xf32> to vector<1024x128xf32>
    %add3A_17 = arith.addf %mul3A_12, %add3A_16 : vector<1024x128xf32>
    %swap3A = arith.constant 0 : index
    %swap3A_18 = arith.constant 0 : index
    %swap3A_19 = vector.load %arg4[%swap3A, %swap3A_18] : memref<1024x128xf32, #tpu.memory_space<vmem>>, vector<1024x128xf32>
    tpu.vector_store %arg4[%swap3A, %swap3A_18], %add3A_17 {strides = array<i32>} : memref<1024x128xf32, #tpu.memory_space<vmem>>, vector<1024x128xf32>,
    return
  }
  func.func @transform_0(%arg0: i32) -> (i32, i32, i32) {
    %c0_i32 = arith.constant 0 : i32
    %c0_i32_0 = arith.constant 0 : i32
    %c0_i32_1 = arith.constant 0 : i32
    return %c0_i32, %arg0, %c0_i32_0 : i32, i32, i32
  }
  func.func @transform_1(%arg0: i32) -> (i32, i32) {
    %c0_i32 = arith.constant 0 : i32
    %c0_i32_0 = arith.constant 0 : i32
    return %arg0, %c0_i32 : i32, i32
  }
  func.func @transform_2(%arg0: i32) -> (i32, i32) {
    %c0_i32 = arith.constant 0 : i32
    %c0_i32_0 = arith.constant 0 : i32
    %c0_i32_1 = arith.constant 0 : i32
    return %c0_i32, %c0_i32_0 : i32, i32
  }
  func.func @transform_3(%arg0: i32) -> (i32, i32) {
    %c0_i32 = arith.constant 0 : i32
    %c0_i32_0 = arith.constant 0 : i32
    return %arg0, %c0_i32 : i32, i32
  }
}

</mosaic_0001>

<sc_bundles>
// kernel: kernel.11.cloned.1.call-start
scs
__scs_entry_jumppad:
0x0: {  	(pc) =	sbr.rel $0x88, $3  }
0x1: {  	(tag) =	ssettag $0x0;
	lr =	simm.s32 $0x1  }
0x2: {  	[smem:$0x3F99] =	sst lr;
	_ =	strace $0xD0000000  }
0x3: {  	_ = 	snop  }
0x4: {  	_ = 	snop  }
0x5: {  	_ = 	snop  }
0x6: {  	_ = 	snop  }
0x7: {  	_ = 	snop  }
__scs_overlays_trampoline_lowered:
0x8: {  	[smem:$0x3FA8] =	sst s0  }
0x9: {  	[smem:$0x3FA9] =	sst s1  }
0xa: {  	[smem:$0x3FAA] =	sst s2  }
0xb: {  	[smem:$0x3FAB] =	sst s3  }
0xc: {  	[smem:$0x3FAC] =	sst s4  }
0xd: {  	[smem:$0x3FAD] =	sst s5  }
0xe: {  	[smem:$0x3FAE] =	sst s6  }
0xf: {  	[smem:$0x3FAF] =	sst s7  }
0x10: {  	[smem:$0x3FB0] =	sst s8  }
0x11: {  	[smem:$0x3FB1] =	sst s9;
	s0 =	simm.s32 @!p0 $0x0  }
0x12: {  	s1 =	sld [smem:$0x3F97];
	s0 =	simm.s32 @p0 $0x1  }
0x13: {  	[smem:$0x3FB2] =	sst s0;
	s0 =	simm.s32 @!p1 $0x0  }
0x14: {  	s2 =	sld [smem:$0x3F96];
	s0 =	simm.s32 @p1 $0x1  }
0x15: {  	[smem:$0x3FB3] =	sst s0;
	s0 =	simm.s32 @!p2 $0x0  }
0x16: {  	s3 =	sld [smem:$0x3FDB];
	s0 =	simm.s32 @p2 $0x1  }
0x17: {  	s4 =	simm.s32 $0x1BF5;
	[smem:$0x3FB5] =	sst s0  }
0x18: {  	s0 =	sld [smem:$0x3F98];
	_ =	swait.ge [sflag:s4], $0x0  }
0x19: {  	s7 =	sld [smem:$0x3F99]  }
0x1a: {  	s8 =	sadd.s32 $0xFFFFE003, lr  }
0x1b: {  	s9 =	sadd.s32 $0xFFFFFEF7, lr;
	s5 =	simm.s32 $0xFFFFFFFF;
	p2 =	slt.u32 s8, $0xFFFFF086  }
0x1c: {  	p1 =	slt.u32 s9, $0xF7A;
	s5 =	simm.s32 @!p2 $0x0  }
0x1d: {  	s5 =	simm.s32 @p1 $0x1;
	p0 =	seq.s32 s7, s2  }
0x1e: {  	s7 =	smul.u32 @!p0 $0xF7A, s2;
	p2 =	seq.s32 @!p0 s5, $0x0  }
0x1f: {  	s9 =	smul.u32 $0xF7A, s1;
	s8 =	simm.s32 @!p0 $0x1BF5;
	p2 =	por !p2, p0  }
0x20: {  	[sflag:s8] =	ssyncset.s32 @!p0 $0xFFFFF086;
	s6 =	sadd.s32 @!p0 s3, s7;
	s7 =	simm.s32 @!p0 $0x108  }
0x21: {  	s3 =	sadd.s32 s3, s9;
	s6 =	sadd.s32 @!p0 $0x88, s6;
	s7 =	simm.s32 @p2 $0x1082  }
0x22: {  	[simem:s7], [sflag:s8] =	dma.local @!p0 [hbm:s6], $0xF7A  }
0x23: {  	s9 =	sor.u32 $0xD0000000, s2;
	s6 =	simm.s32 $0x108;
	_ =	swait.ge @!p0 [sflag:s8], $0x0  }
0x24: {  	s3 =	sadd.s32 $0x88, s3;
	s6 =	simm.s32 @!p1 $0x1082;
	[sflag:s4] =	ssyncset.s32 $0xFFFFF086  }
0x25: {  	[simem:s6], [sflag:s4] =	dma.local [hbm:s3], $0xF7A  }
0x26: {  	[smem:$0x3F99] =	sst s1;
	(tag) =	ssettag s2;
	_ =	strace s9  }
0x27: {  	s1 =	sld [smem:$0x3FA9]  }
0x28: {  	s2 =	sld [smem:$0x3FAA]  }
0x29: {  	s4 =	sld [smem:$0x3FAC]  }
0x2a: {  	p0 =	seq.s32 s5, $0x0;
	s5 =	sld [smem:$0x3FAD]  }
0x2b: {  	s6 =	sld [smem:$0x3FAE]  }
0x2c: {  	s7 =	sld [smem:$0x3FAF]  }
0x2d: {  	s3 =	simm.s32 $0x108;
	s8 =	sld [smem:$0x3FB0]  }
0x2e: {  	s3 =	simm.s32 @!p0 $0x1082;
	s9 =	sld [smem:$0x3FB1]  }
0x2f: {  	lr =	sadd.s32 s0, s3;
	s0 =	sld [smem:$0x3FA8]  }
0x30: {  	s3 =	sld [smem:$0x3FAB]  }
0x31: {  	[smem:$0x3FB4] =	sst s10  }
0x32: {  	s10 =	sld [smem:$0x3FB2];
	_ =	sdelay $0x3  }
0x33: {  	p0 =	seq.s32 s10, $0x1;
	s10 =	sld [smem:$0x3FB4];
	_ =	sdelay $0x3  }
0x34: {  	[smem:$0x3FB4] =	sst s10  }
0x35: {  	s10 =	sld [smem:$0x3FB3];
	_ =	sdelay $0x3  }
0x36: {  	p1 =	seq.s32 s10, $0x1;
	s10 =	sld [smem:$0x3FB4];
	_ =	sdelay $0x3  }
0x37: {  	[smem:$0x3FB4] =	sst s10  }
0x38: {  	s10 =	sld [smem:$0x3FB5]  }
0x39: {  	_ = 	snop;
	(pc) =	sbr.ind lr, $3  }
0x3a: {  	_ = 	snop  }
0x3b: {  	_ = 	snop  }
0x3c: {  	p2 =	seq.s32 s10, $0x1;
	s10 =	sld [smem:$0x3FB4]  }
0x3d: {  	_ =	shalt  }
0x3e: {  	_ =	shalt  }
0x3f: {  	_ =	shalt  }
0x40: {  	_ =	shalt  }
0x41: {  	_ =	shalt  }
0x42: {  	_ =	shalt  }
0x43: {  	_ =	shalt  }
0x44: {  	_ =	shalt  }
0x45: {  	_ =	shalt  }
0x46: {  	_ =	shalt  }
0x47: {  	_ =	shalt  }
0x48: {  	_ =	shalt  }
0x49: {  	_ =	shalt  }
0x4a: {  	_ =	shalt  }
0x4b: {  	_ =	shalt  }
0x4c: {  	_ =	shalt  }
0x4d: {  	_ =	shalt  }
0x4e: {  	_ =	shalt  }
0x4f: {  	_ =	shalt  }
0x50: {  	_ =	shalt  }
0x51: {  	_ =	shalt  }
0x52: {  	_ =	shalt  }
0x53: {  	_ =	shalt  }
0x54: {  	_ =	shalt  }
0x55: {  	_ =	shalt  }
0x56: {  	_ =	shalt  }
0x57: {  	_ =	shalt  }
0x58: {  	_ =	shalt  }
0x59: {  	_ =	shalt  }
0x5a: {  	_ =	shalt  }
0x5b: {  	_ =	shalt  }
0x5c: {  	_ =	shalt  }
0x5d: {  	_ =	shalt  }
0x5e: {  	_ =	shalt  }
0x5f: {  	_ =	shalt  }
0x60: {  	_ =	shalt  }
0x61: {  	_ =	shalt  }
0x62: {  	_ =	shalt  }
0x63: {  	_ =	shalt  }
0x64: {  	_ =	shalt  }
0x65: {  	_ =	shalt  }
0x66: {  	_ =	shalt  }
0x67: {  	_ =	shalt  }
0x68: {  	_ =	shalt  }
0x69: {  	_ =	shalt  }
0x6a: {  	_ =	shalt  }
0x6b: {  	_ =	shalt  }
0x6c: {  	_ =	shalt  }
0x6d: {  	_ =	shalt  }
0x6e: {  	_ =	shalt  }
0x6f: {  	_ =	shalt  }
0x70: {  	_ =	shalt  }
0x71: {  	_ =	shalt  }
0x72: {  	_ =	shalt  }
0x73: {  	_ =	shalt  }
0x74: {  	_ =	shalt  }
0x75: {  	_ =	shalt  }
0x76: {  	_ =	shalt  }
0x77: {  	_ =	shalt  }
0x78: {  	_ =	shalt  }
0x79: {  	_ =	shalt  }
0x7a: {  	_ =	shalt  }
0x7b: {  	_ =	shalt  }
0x7c: {  	_ =	shalt  }
0x7d: {  	_ =	shalt  }
0x7e: {  	_ =	shalt  }
0x7f: {  	_ =	shalt  }
0x80: {  	_ =	shalt  }
0x81: {  	_ =	shalt  }
0x82: {  	_ =	shalt  }
0x83: {  	_ =	shalt  }
0x84: {  	_ =	shalt  }
0x85: {  	_ =	shalt  }
0x86: {  	_ =	shalt  }
0x87: {  	_ =	shalt  }
.Lfunc_end0:
.L_simem_size_0:
called_computation_lowered:
.L_overlay_start_0:
0x88: {  	s2 =	sld [smem:$0x3FD9]  }
0x89: {  	s3 =	sld [smem:$0x3FFE];
	_ =	sdelay $0x1  }
0x8a: {  	s1 =	srdreg.scid  }
0x8b: {  	s0 =	sand.u32 $0x1, s1  }
0x8c: {  	s16 =	sshll.u32 s0, $0xA;
	s2 =	sadd.s32 s3, s2  }
0x8d: {  	s2 =	sadd.s32 s2, s16  }
0x8e: {  	[smem:$0x3FC0] =	sst s2  }
0x8f: {  	_ = 	snop  }
0x90: {  	(tm) =	ssettm $0x1  }
0x91: {  	s17 =	sld [smem:$0x3FFB];
	_ =	sdelay $0x3  }
0x92: {  	_ =	strace s17  }
0x93: {  	s2 =	sld [smem:$0x3FFC];
	_ =	sdelay $0x3  }
0x94: {  	_ =	strace s2  }
0x95: {  	s2 =	sld [smem:$0x3FFD];
	_ =	sdelay $0x3  }
0x96: {  	_ =	strace s2  }
0x97: {  	_ =	strace $0x8FFFFFFF  }
0x98: {  	s18 =	sld [smem:$0x3FDB];
	_ =	sdelay $0x1  }
0x99: {  	s19 =	simm.s32 $_scs_section_size  }
0x9a: {  	s4 =	simm.s32 $_size__tile_overlayer_lowered;
	s5 =	simm.s32 $_tile_overlayer_lowered  }
0x9b: {  	s22 =	simm.s32 $0x1BFF;
	s21 =	sshll.u32 s5, $0x1;
	s2 =	sadd.s32 s19, s18  }
0x9c: {  	s6 =	simm.s32 $0x0;
	s20 =	sshll.u32 s4, $0x1;
	s4 =	sadd.s32 s21, s2  }
0x9d: {  	[timem:s6], [sflag:s22] =	dma.local [hbm:s4], s20  }
0x9e: {  	_ =	swait.ge [sflag:s22], s20  }
0x9f: {  	s3 =	ssub.s32 $0x0, s20;
	[sflag:s22] =	ssyncset.done $0x0  }
0xa0: {  	[sflag:s22] =	ssyncadd.s32 s3;
	_ =	sdelay $0x1  }
0xa1: {  	s23 =	simm.s32 $0x1B8B  }
0xa2: {  	_ =	swait.ge [sflag:s23], $0x1  }
0xa3: {  	[sflag:s23] =	ssyncset.done $0x0  }
0xa4: {  	s25 =	simm.s32 $0x1B8E;
	s24 =	sld [smem:$0x3FFE];
	[sflag:s23] =	ssyncadd.s32 $0xFFFFFFFF  }
0xa5: {  	s26 =	simm.s32 $execute0_lowered;
	[smem:$0x3FD2] =	sst s25  }
0xa6: {  	s4 =	sshll.u32 s26, $0x1;
	_ =	strace $0x80000046;
	[dreg:$0x1] =	wrdreg $0xFFFFFFFF  }
0xa7: {  	s28 =	simm.s32 $_size_execute0_lowered;
	s2 =	sadd.s32 s2, s4;
	[dreg:$0x0] =	wrdreg $0x0  }
0xa8: {  	s4 =	sshll.u32 s28, $0x1;
	[dreg:$0x2] =	wrdreg s2  }
0xa9: {  	[dreg:$0x3] =	wrdreg s4  }
0xaa: {  	[dreg:$0x4] =	wrdreg $0xC0  }
0xab: {  	_ =	task [dreg:s6], $0x5FFFF  }
0xac: {  	[dreg:$0x1] =	wrdreg $0xFFFFFFFF  }
0xad: {  	[dreg:$0x0] =	wrdreg $0x60  }
0xae: {  	[dreg:$0x2] =	wrdreg s24  }
0xaf: {  	[dreg:$0x3] =	wrdreg $0x8F800  }
0xb0: {  	[dreg:$0x4] =	wrdreg $0x9  }
0xb1: {  	_ =	task.clear_ibuf [dreg:s6], $0x5FFFF;
	_ =	strace $0x90000046  }
0xb2: {  	s29 =	simm.s32 $0x9;
	_ =	strace $0x80000048  }
0xb3: {  	_ =	swait.ge [sflag:s29], $0x1  }
0xb4: {  	[sflag:s29] =	ssyncadd.s32 $0xFFFFFFFF  }
0xb5: {  	_ =	strace $0x90000048  }
0xb6: {  	_ =	sfence  }
0xb7: {  	s30 =	sld [smem:$0x0];
	_ =	sdelay $0x2  }
0xb8: {  	s31 =	sshll.u32 s1, $0xD;
	s1 =	sshrl.u32 s1, $0x2  }
0xb9: {  	s3 =	sand.u32 $0x4000, s31;
	s1 =	sadd.s32 s1, s30  }
0xba: {  	s0 =	sor.u32 s3, s0;
	s1 =	sshll.u32 s1, $0x11  }
0xbb: {  	s0 =	sor.u32 s1, s0  }
0xbc: {  	s0 =	sadd.s32 $0x8F2B, s0  }
0xbd: {  	[sflag:s0] =	ssyncadd.remote.s32 $0x1  }
0xbe: {  	_ =	sfence.sel $0xFFFF  }
0xbf: {  	[dreg:$0x0] =	wrdreg $0xFFFFFFFF;
	(pc) =	sbr.abs _section_cstart, $3  }
0xc0: {  	[dreg:$0x1] =	wrdreg $0xFFFFFFFF  }
0xc1: {  	_ =	task.clear_ibuf [dreg:s6], $0x2FFFF;
	_ =	strace $0x9FFFFFFF  }
0xc2: {  	(tm) =	ssettm $0x7FFFFFFF  }
0xc3: {  	_ =	shalt  }
tec
execute0_lowered:
.L_overlay_start_1:
0x0: {  	(tag) =	ssettag $0x1  }
0x1: {  	s7 =	rddreg [dreg:$0x0]  }
0x2: {  	s0 =	srdreg.scid;
	s2 =	rddreg [dreg:$0x1];
	s3 =	simm.s32 $0x0  }
0x3: {  	s15 =	simm.s32 $0x50;
	s16 =	simm.s32 $0x6780;
	s17 =	simm.s32 $0x1  }
0x4: {  	s18 =	simm.s32 $0x0;
	s5 =	sand.u32 $0x1, s0;
	s0 =	stileid.u32  }
0x5: {  	[smem:$0x7FF] =	sst s3;
	s1 =	sshll.u32 s5, $0x4;
	s25 =	smul.u32 $0x14000, s0  }
0x6: {  	s8 =	sshll.u32 s0, $0x7;
	s10 =	smul.u32 $0x140000, s5;
	s5 =	ssub.s32 $0x2, s5  }
0x7: {  	s28 =	smul.u32 $0x50000, s0;
	s31 =	sshll.u32 s0, $0x6;
	s6 =	sor.u32 s0, s1  }
0x8: {  	s8 =	sand.u32 $0x380, s8;
	s29 =	sshrl.u32 s5, $0x1;
	s1 =	sshrl.u32 s6, $0x3  }
0x9: {  	s6 =	sshll.u32 s6, $0xB;
	s26 =	sshrl.u32 s25, $0x3;
	s13 =	ssub.s32 s5, s29  }
0xa: {  	s30 =	sshrl.u32 s28, $0x2;
	s4 =	smul.u32 $0x13C00, s1;
	s1 =	rddreg [dreg:$0x2]  }
0xb: {  	_ =	strace $0x80000047;
	s11 =	sadd.s32 s6, s7;
	s6 =	sadd.s32 s26, s7  }
0xc: {  	s14 =	sadd.s32 s30, s2;
	s5 =	sadd.s32 $0x37000, s6;
	s6 =	sor.u32 $0x1C02, s31  }
0xd: {  	s4 =	sor.u32 s8, s4;
	s8 =	sadd.s32 s25, s10;
	s10 =	smax.u32 s13, $0x1  }
0xe: {  	s13 =	simm.s32 $0x80;
	s9 =	sshrl.u32 s4, $0x3;
	s8 =	sshrl.u32 s8, $0x3  }
0xf: {  	s4 =	sadd.s32 $0x5F000, s7;
	s9 =	sadd.s32 s9, s7;
	s12 =	sadd.s32 s8, s7  }
0x10: {  	s8 =	sadd.s32 $0x27000, s11;
	s11 =	sshrl.u32 s14, $0x3;
	s14 =	simm.s32 $0x400  }
0x11: {  	s7 =	sadd.s32 $0x3400, s9;
	s9 =	sadd.s32 $0x87000, s12;
	s12 =	simm.s32 $0x2  }
.LBB2_1:
0x12: {  	[spmem:s11], [sflag:s6] =	dma.local [hbm:s5], $0x2800  }
0x13: {  	_ =	swait.ge [sflag:s12], $0x2800  }
0x14: {  	[sflag:s12] =	ssyncset.done $0x0  }
0x15: {  	[sflag:s12] =	ssyncadd.s32 $0xFFFFD800  }
0x16: {  	[tilespmem:s3], [sflag:$0x2] =	stream.strided.gather [hbm4b:s7+s13], $0x2780, s14, s13, $0x38;
	[tilespmem:$0x1CF80] =	vst v63  }
0x17: {  	_ =	swait.ge [sflag:s12], $0x2780  }
0x18: {  	[sflag:s12] =	ssyncset.done $0x0  }
0x19: {  	s19 =	simm.s32 $0x2780;
	[sflag:s12] =	ssyncadd.s32 $0xFFFFD880  }
0x1a: {  	[tilespmem:s19], [sflag:$0x2] =	stream.linear.gather [hbm4b:s8+s3], $0x3E80, $0x38;
	[tilespmem:$0x1CF80] =	vst v63  }
0x1b: {  	_ =	swait.ge [sflag:s12], $0x3E80  }
0x1c: {  	[sflag:s12] =	ssyncset.done $0x0  }
0x1d: {  	[sflag:s12] =	ssyncadd.s32 $0xFFFFC180  }
0x1e: {  	s20 =	simm.s32 $0x0;
	[bflag:$0x0] =	sbarrier.arrive $0xFFFF  }
0x1f: {  	[tilespmem:s16], [sflag:$0x1] =	stream.indirect.gather [hbm4b:s4+s15], $0x80, s20, s15, $0xb8;
	[tilespmem:$0x1CF80] =	vst v63  }
0x20: {  	_ =	swait.ge [sflag:s17], $0x2800  }
0x21: {  	[sflag:s17] =	ssyncset.done $0x0  }
0x22: {  	[sflag:s17] =	ssyncadd.s32 $0xFFFFD800  }
0x23: {  	[spmem:s2] =	stream.indirect.scatter.add.f32 [tilespmem:s16], [sflag:$0x2], $0x80, s19, s15, $0xb8;
	[tilespmem:$0x1CF80] =	vst v63  }
0x24: {  	s21 =	simm.s32 $0x280;
	_ =	swait.ge [sflag:s12], $0x2800  }
0x25: {  	s20 =	simm.s32 $0x140;
	s19 =	simm.s32 $0x2800;
	[sflag:s12] =	ssyncset.done $0x0  }
.LBB2_2:
0x26: {  	s22 =	sshra.s32 s20, $0x2  }
0x27: {  	[sflag:s12] =	ssyncadd.s32 $0xFFFFD800;
	s20 =	smov.u32 s21;
	s23 =	sadd.s32 $0x140, s21  }
0x28: {  	[tilespmem:s16], [sflag:$0x1] =	stream.indirect.gather [hbm4b:s4+s15], $0x80, s22, s15, $0xb8;
	[tilespmem:$0x1CF80] =	vst v63  }
0x29: {  	p0 =	sne.s32 s21, $0x9B00;
	_ =	swait.ge [sflag:s17], $0x2800  }
.Ltmp0:
0x2a: {  	[sflag:s17] =	ssyncset.done $0x0;
	(pc) =	sbr.rel @p0 .LBB2_2-.Ltmp0, $4  }
0x2b: {  	[sflag:s17] =	ssyncadd.s32 $0xFFFFD800  }
0x2c: {  	[spmem:s2] =	stream.indirect.scatter.add.f32 [tilespmem:s16], [sflag:$0x2], $0x80, s19, s15, $0xb8;
	[tilespmem:$0x1CF80] =	vst v63  }
0x2d: {  	_ =	swait.ge [sflag:s12], $0x2800  }
0x2e: {  	s21 =	smov.u32 s23;
	s19 =	sadd.s32 $0x80, s19;
	[sflag:s12] =	ssyncset.done $0x0  }
0x2f: {  	s20 =	sshra.s32 s20, $0x2;
	[sflag:s12] =	ssyncadd.s32 $0xFFFFD800  }
0x30: {  	[tilespmem:s16], [sflag:$0x1] =	stream.indirect.gather [hbm4b:s4+s15], $0x80, s20, s15, $0xb8;
	[tilespmem:$0x1CF80] =	vst v63  }
0x31: {  	_ =	swait.ge [sflag:s17], $0x2800  }
0x32: {  	[sflag:s17] =	ssyncset.done $0x0  }
0x33: {  	[sflag:s17] =	ssyncadd.s32 $0xFFFFD800  }
0x34: {  	[spmem:s2] =	stream.indirect.scatter.add.f32 [tilespmem:s16], [sflag:$0x2], $0x80, s19, s15, $0xb8;
	[tilespmem:$0x1CF80] =	vst v63  }
0x35: {  	_ =	swait.ge [sflag:s12], $0x2800  }
0x36: {  	s18 =	sadd.s32 $0x1, s18;
	[sflag:s12] =	ssyncset.done $0x0  }
0x37: {  	p0 =	sne.s32 s18, s10;
	[sflag:s12] =	ssyncadd.s32 $0xFFFFD800  }
.Ltmp1:
0x38: {  	[bflag:$0x0] =	sbarrier.arrive $0xFFFF;
	(pc) =	sbr.rel @p0 .LBB2_1-.Ltmp1, $4  }
0x39: {  	[hbm:s9], [sflag:s6] =	dma.local [spmem:s11], $0x2800  }
0x3a: {  	_ =	swait.ge [sflag:s12], $0x2800  }
0x3b: {  	[sflag:s12] =	ssyncset.done $0x0  }
0x3c: {  	[sflag:s12] =	ssyncadd.s32 $0xFFFFD800  }
0x3d: {  	_ =	sfence.sel $0x180000  }
0x3e: {  	[bflag:$0x0] =	sbarrier.arrive $0xFFFF  }
0x3f: {  	p0 =	sne.s32 s0, $0x0;
	_ =	strace $0x90000047  }
0x40: {  	s0 =	sadd.s32 @!p0 $0x100000, s1;
	[bflag:$0x2] =	sbarrier.arrive $0xFFFF  }
0x41: {  	[sflag:s0] =	ssyncadd.tile.s32 @!p0 $0x1;
	_ =	shalt  }
.Lfunc_end2:
_tile_overlayer_lowered:
.L_overlay_start_2:
0x42: {  	(tag) =	ssettag $0x2  }
0x43: {  	s0 =	rddreg [dreg:$0x0];
	s2 =	stileid.u32  }
0x44: {  	s1 =	rddreg [dreg:$0x1];
	p0 =	sne.s32 s2, $0x0  }
0x45: {  	s3 =	rddreg [dreg:$0x2];
	[bflag:$0x3] =	sbarrier.arrive $0xFFFF;
	s2 =	simm.s32 @!p0 $0x1C02  }
0x46: {  	[timem:s3], [sflag:s2] =	dma.local @!p0 [hbm:s0], s1  }
0x47: {  	s0 =	simm.s32 @!p0 $0x2  }
0x48: {  	_ =	swait.ge @!p0 [sflag:s0], s1  }
0x49: {  	s1 =	ssub.s32 @!p0 $0x0, s1;
	[sflag:s0] =	ssyncset.done @!p0 $0x0  }
0x4a: {  	[sflag:s0] =	ssyncadd.s32 @!p0 s1  }
0x4b: {  	[bflag:$0x3] =	sbarrier.arrive $0xFFFF  }
0x4c: {  	_ =	shalt  }

// kernel: kernel.14.cloned.1.call-start
scs
__scs_entry_jumppad:
0x0: {  	(pc) =	sbr.rel $0x88, $3  }
0x1: {  	(tag) =	ssettag $0x0;
	lr =	simm.s32 $0x1  }
0x2: {  	[smem:$0x3F99] =	sst lr;
	_ =	strace $0xD0000000  }
0x3: {  	_ = 	snop  }
0x4: {  	_ = 	snop  }
0x5: {  	_ = 	snop  }
0x6: {  	_ = 	snop  }
0x7: {  	_ = 	snop  }
__scs_overlays_trampoline_lowered:
0x8: {  	[smem:$0x3FA8] =	sst s0  }
0x9: {  	[smem:$0x3FA9] =	sst s1  }
0xa: {  	[smem:$0x3FAA] =	sst s2  }
0xb: {  	[smem:$0x3FAB] =	sst s3  }
0xc: {  	[smem:$0x3FAC] =	sst s4  }
0xd: {  	[smem:$0x3FAD] =	sst s5  }
0xe: {  	[smem:$0x3FAE] =	sst s6  }
0xf: {  	[smem:$0x3FAF] =	sst s7  }
0x10: {  	[smem:$0x3FB0] =	sst s8  }
0x11: {  	[smem:$0x3FB1] =	sst s9;
	s0 =	simm.s32 @!p0 $0x0  }
0x12: {  	s1 =	sld [smem:$0x3F97];
	s0 =	simm.s32 @p0 $0x1  }
0x13: {  	[smem:$0x3FB2] =	sst s0;
	s0 =	simm.s32 @!p1 $0x0  }
0x14: {  	s2 =	sld [smem:$0x3F96];
	s0 =	simm.s32 @p1 $0x1  }
0x15: {  	[smem:$0x3FB3] =	sst s0;
	s0 =	simm.s32 @!p2 $0x0  }
0x16: {  	s3 =	sld [smem:$0x3FDB];
	s0 =	simm.s32 @p2 $0x1  }
0x17: {  	s4 =	simm.s32 $0x1BF5;
	[smem:$0x3FB5] =	sst s0  }
0x18: {  	s0 =	sld [smem:$0x3F98];
	_ =	swait.ge [sflag:s4], $0x0  }
0x19: {  	s7 =	sld [smem:$0x3F99]  }
0x1a: {  	s8 =	sadd.s32 $0xFFFFE003, lr  }
0x1b: {  	s9 =	sadd.s32 $0xFFFFFEF7, lr;
	s5 =	simm.s32 $0xFFFFFFFF;
	p2 =	slt.u32 s8, $0xFFFFF086  }
0x1c: {  	p1 =	slt.u32 s9, $0xF7A;
	s5 =	simm.s32 @!p2 $0x0  }
0x1d: {  	s5 =	simm.s32 @p1 $0x1;
	p0 =	seq.s32 s7, s2  }
0x1e: {  	s7 =	smul.u32 @!p0 $0xF7A, s2;
	p2 =	seq.s32 @!p0 s5, $0x0  }
0x1f: {  	s9 =	smul.u32 $0xF7A, s1;
	s8 =	simm.s32 @!p0 $0x1BF5;
	p2 =	por !p2, p0  }
0x20: {  	[sflag:s8] =	ssyncset.s32 @!p0 $0xFFFFF086;
	s6 =	sadd.s32 @!p0 s3, s7;
	s7 =	simm.s32 @!p0 $0x108  }
0x21: {  	s3 =	sadd.s32 s3, s9;
	s6 =	sadd.s32 @!p0 $0x88, s6;
	s7 =	simm.s32 @p2 $0x1082  }
0x22: {  	[simem:s7], [sflag:s8] =	dma.local @!p0 [hbm:s6], $0xF7A  }
0x23: {  	s9 =	sor.u32 $0xD0000000, s2;
	s6 =	simm.s32 $0x108;
	_ =	swait.ge @!p0 [sflag:s8], $0x0  }
0x24: {  	s3 =	sadd.s32 $0x88, s3;
	s6 =	simm.s32 @!p1 $0x1082;
	[sflag:s4] =	ssyncset.s32 $0xFFFFF086  }
0x25: {  	[simem:s6], [sflag:s4] =	dma.local [hbm:s3], $0xF7A  }
0x26: {  	[smem:$0x3F99] =	sst s1;
	(tag) =	ssettag s2;
	_ =	strace s9  }
0x27: {  	s1 =	sld [smem:$0x3FA9]  }
0x28: {  	s2 =	sld [smem:$0x3FAA]  }
0x29: {  	s4 =	sld [smem:$0x3FAC]  }
0x2a: {  	p0 =	seq.s32 s5, $0x0;
	s5 =	sld [smem:$0x3FAD]  }
0x2b: {  	s6 =	sld [smem:$0x3FAE]  }
0x2c: {  	s7 =	sld [smem:$0x3FAF]  }
0x2d: {  	s3 =	simm.s32 $0x108;
	s8 =	sld [smem:$0x3FB0]  }
0x2e: {  	s3 =	simm.s32 @!p0 $0x1082;
	s9 =	sld [smem:$0x3FB1]  }
0x2f: {  	lr =	sadd.s32 s0, s3;
	s0 =	sld [smem:$0x3FA8]  }
0x30: {  	s3 =	sld [smem:$0x3FAB]  }
0x31: {  	[smem:$0x3FB4] =	sst s10  }
0x32: {  	s10 =	sld [smem:$0x3FB2];
	_ =	sdelay $0x3  }
0x33: {  	p0 =	seq.s32 s10, $0x1;
	s10 =	sld [smem:$0x3FB4];
	_ =	sdelay $0x3  }
0x34: {  	[smem:$0x3FB4] =	sst s10  }
0x35: {  	s10 =	sld [smem:$0x3FB3];
	_ =	sdelay $0x3  }
0x36: {  	p1 =	seq.s32 s10, $0x1;
	s10 =	sld [smem:$0x3FB4];
	_ =	sdelay $0x3  }
0x37: {  	[smem:$0x3FB4] =	sst s10  }
0x38: {  	s10 =	sld [smem:$0x3FB5]  }
0x39: {  	_ = 	snop;
	(pc) =	sbr.ind lr, $3  }
0x3a: {  	_ = 	snop  }
0x3b: {  	_ = 	snop  }
0x3c: {  	p2 =	seq.s32 s10, $0x1;
	s10 =	sld [smem:$0x3FB4]  }
0x3d: {  	_ =	shalt  }
0x3e: {  	_ =	shalt  }
0x3f: {  	_ =	shalt  }
0x40: {  	_ =	shalt  }
0x41: {  	_ =	shalt  }
0x42: {  	_ =	shalt  }
0x43: {  	_ =	shalt  }
0x44: {  	_ =	shalt  }
0x45: {  	_ =	shalt  }
0x46: {  	_ =	shalt  }
0x47: {  	_ =	shalt  }
0x48: {  	_ =	shalt  }
0x49: {  	_ =	shalt  }
0x4a: {  	_ =	shalt  }
0x4b: {  	_ =	shalt  }
0x4c: {  	_ =	shalt  }
0x4d: {  	_ =	shalt  }
0x4e: {  	_ =	shalt  }
0x4f: {  	_ =	shalt  }
0x50: {  	_ =	shalt  }
0x51: {  	_ =	shalt  }
0x52: {  	_ =	shalt  }
0x53: {  	_ =	shalt  }
0x54: {  	_ =	shalt  }
0x55: {  	_ =	shalt  }
0x56: {  	_ =	shalt  }
0x57: {  	_ =	shalt  }
0x58: {  	_ =	shalt  }
0x59: {  	_ =	shalt  }
0x5a: {  	_ =	shalt  }
0x5b: {  	_ =	shalt  }
0x5c: {  	_ =	shalt  }
0x5d: {  	_ =	shalt  }
0x5e: {  	_ =	shalt  }
0x5f: {  	_ =	shalt  }
0x60: {  	_ =	shalt  }
0x61: {  	_ =	shalt  }
0x62: {  	_ =	shalt  }
0x63: {  	_ =	shalt  }
0x64: {  	_ =	shalt  }
0x65: {  	_ =	shalt  }
0x66: {  	_ =	shalt  }
0x67: {  	_ =	shalt  }
0x68: {  	_ =	shalt  }
0x69: {  	_ =	shalt  }
0x6a: {  	_ =	shalt  }
0x6b: {  	_ =	shalt  }
0x6c: {  	_ =	shalt  }
0x6d: {  	_ =	shalt  }
0x6e: {  	_ =	shalt  }
0x6f: {  	_ =	shalt  }
0x70: {  	_ =	shalt  }
0x71: {  	_ =	shalt  }
0x72: {  	_ =	shalt  }
0x73: {  	_ =	shalt  }
0x74: {  	_ =	shalt  }
0x75: {  	_ =	shalt  }
0x76: {  	_ =	shalt  }
0x77: {  	_ =	shalt  }
0x78: {  	_ =	shalt  }
0x79: {  	_ =	shalt  }
0x7a: {  	_ =	shalt  }
0x7b: {  	_ =	shalt  }
0x7c: {  	_ =	shalt  }
0x7d: {  	_ =	shalt  }
0x7e: {  	_ =	shalt  }
0x7f: {  	_ =	shalt  }
0x80: {  	_ =	shalt  }
0x81: {  	_ =	shalt  }
0x82: {  	_ =	shalt  }
0x83: {  	_ =	shalt  }
0x84: {  	_ =	shalt  }
0x85: {  	_ =	shalt  }
0x86: {  	_ =	shalt  }
0x87: {  	_ =	shalt  }
.Lfunc_end0:
.L_simem_size_0:
called_computation.1_lowered:
.L_overlay_start_0:
0x88: {  	s2 =	sld [smem:$0x3FD9]  }
0x89: {  	s3 =	sld [smem:$0x3FFE];
	_ =	sdelay $0x1  }
0x8a: {  	s1 =	srdreg.scid  }
0x8b: {  	s0 =	sand.u32 $0x1, s1  }
0x8c: {  	s17 =	sshll.u32 s0, $0xA;
	s2 =	sadd.s32 s3, s2  }
0x8d: {  	s2 =	sadd.s32 s2, s17  }
0x8e: {  	[smem:$0x3FC0] =	sst s2  }
0x8f: {  	_ = 	snop  }
0x90: {  	s18 =	sld [smem:$0x3FD0];
	(tm) =	ssettm $0x1  }
0x91: {  	s19 =	sld [smem:$0x3FFB];
	_ =	sdelay $0x3  }
0x92: {  	_ =	strace s19  }
0x93: {  	s2 =	sld [smem:$0x3FFC];
	_ =	sdelay $0x3  }
0x94: {  	_ =	strace s2  }
0x95: {  	s2 =	sld [smem:$0x3FFD];
	_ =	sdelay $0x3  }
0x96: {  	_ =	strace s2  }
0x97: {  	_ =	strace $0x8FFFFFFF  }
0x98: {  	s20 =	sld [smem:$0x3FDB];
	_ =	sdelay $0x1  }
0x99: {  	s4 =	simm.s32 $_scs_section_size  }
0x9a: {  	s5 =	simm.s32 $_size__tile_overlayer_lowered;
	s6 =	simm.s32 $_tile_overlayer_lowered  }
0x9b: {  	s7 =	simm.s32 $0x1BFF;
	s21 =	sshll.u32 s6, $0x1;
	s4 =	sadd.s32 s4, s20  }
0x9c: {  	s22 =	simm.s32 $0x0;
	s5 =	sshll.u32 s5, $0x1;
	s6 =	sadd.s32 s21, s4  }
0x9d: {  	[timem:s22], [sflag:s7] =	dma.local [hbm:s6], s5  }
0x9e: {  	_ =	swait.ge [sflag:s7], s5  }
0x9f: {  	s5 =	ssub.s32 $0x0, s5;
	[sflag:s7] =	ssyncset.done $0x0  }
0xa0: {  	[sflag:s7] =	ssyncadd.s32 s5;
	_ =	sdelay $0x1  }
0xa1: {  	s23 =	simm.s32 $0x1B8B  }
0xa2: {  	_ =	swait.ge [sflag:s23], $0x1  }
0xa3: {  	[sflag:s23] =	ssyncset.done $0x0  }
0xa4: {  	[sflag:s23] =	ssyncadd.s32 $0xFFFFFFFF  }
0xa5: {  	s5 =	sld [smem:$0x0]  }
0xa6: {  	s6 =	sand.u32 $0xFFFFFFFE, s1  }
0xa7: {  	p0 =	sne.s32 s1, s6  }
0xa8: {  	s6 =	sshll.u32 @p0 s6, $0xE  }
0xa9: {  	s6 =	sadd.s32 @p0 $0x11B8D, s6;
	s7 =	sshll.u32 @p0 s5, $0x11  }
0xaa: {  	s6 =	sor.u32 @p0 s7, s6  }
0xab: {  	[sflag:s6] =	ssyncadd.remote.s32 @p0 $0x1;
	_ =	sdelay $0x1  }
0xac: {  	s6 =	simm.s32 @p0 $0x1B8D  }
0xad: {  	_ =	swait.eq @p0 [sflag:s6], $0x1  }
0xae: {  	[sflag:s6] =	ssyncadd.s32 @p0 $0xFFFFFFFF  }
0xaf: {  	s7 =	sshll.u32 @!p0 s1, $0xE  }
0xb0: {  	s7 =	sor.u32 @!p0 $0x4000, s7;
	s6 =	simm.s32 @!p0 $0x1B8D  }
0xb1: {  	s5 =	sshll.u32 @!p0 s5, $0x11;
	s7 =	sadd.s32 @!p0 $0x11B8D, s7;
	_ =	swait.eq @!p0 [sflag:s6], $0x1  }
0xb2: {  	s5 =	sor.u32 @!p0 s5, s7;
	[sflag:s6] =	ssyncadd.s32 @!p0 $0xFFFFFFFF  }
0xb3: {  	s25 =	simm.s32 $0x1B8E;
	s24 =	sld [smem:$0x3FFE];
	[sflag:s5] =	ssyncadd.remote.s32 @!p0 $0x1  }
0xb4: {  	s26 =	simm.s32 $execute0_lowered;
	[smem:$0x3FD2] =	sst s25  }
0xb5: {  	s6 =	sshll.u32 s26, $0x1;
	_ =	strace $0x80000049;
	[dreg:$0x1] =	wrdreg $0xFFFFFFFF  }
0xb6: {  	s28 =	simm.s32 $_size_execute0_lowered;
	s4 =	sadd.s32 s4, s6;
	[dreg:$0x0] =	wrdreg $0x0  }
0xb7: {  	s6 =	sshll.u32 s28, $0x1;
	[dreg:$0x2] =	wrdreg s4  }
0xb8: {  	[dreg:$0x3] =	wrdreg s6  }
0xb9: {  	[dreg:$0x4] =	wrdreg $0xC0  }
0xba: {  	_ =	task [dreg:s22], $0x5FFFF  }
0xbb: {  	[dreg:$0x1] =	wrdreg $0xFFFFFFFF  }
0xbc: {  	[dreg:$0x0] =	wrdreg $0x60  }
0xbd: {  	[dreg:$0x2] =	wrdreg s24  }
0xbe: {  	[dreg:$0x3] =	wrdreg s18  }
0xbf: {  	[dreg:$0x4] =	wrdreg $0x8F800  }
0xc0: {  	[dreg:$0x5] =	wrdreg $0xA  }
0xc1: {  	_ =	task.clear_ibuf [dreg:s22], $0x6FFFF;
	_ =	strace $0x90000049  }
0xc2: {  	s29 =	simm.s32 $0xA;
	_ =	strace $0x8000004B  }
0xc3: {  	_ =	swait.ge [sflag:s29], $0x1  }
0xc4: {  	[sflag:s29] =	ssyncadd.s32 $0xFFFFFFFF  }
0xc5: {  	_ =	strace $0x9000004B  }
0xc6: {  	_ =	sfence  }
0xc7: {  	s30 =	sld [smem:$0x0];
	_ =	sdelay $0x2  }
0xc8: {  	s31 =	sshll.u32 s1, $0xD;
	s1 =	sshrl.u32 s1, $0x2  }
0xc9: {  	s4 =	sand.u32 $0x4000, s31;
	s1 =	sadd.s32 s1, s30  }
0xca: {  	s0 =	sor.u32 s4, s0;
	s1 =	sshll.u32 s1, $0x11  }
0xcb: {  	s0 =	sor.u32 s1, s0  }
0xcc: {  	s0 =	sadd.s32 $0x8F2B, s0  }
0xcd: {  	[sflag:s0] =	ssyncadd.remote.s32 $0x1  }
0xce: {  	_ =	sfence.sel $0xFFFF  }
0xcf: {  	[dreg:$0x0] =	wrdreg $0xFFFFFFFF;
	(pc) =	sbr.abs _section_cstart, $3  }
0xd0: {  	[dreg:$0x1] =	wrdreg $0xFFFFFFFF  }
0xd1: {  	_ =	task.clear_ibuf [dreg:s22], $0x2FFFF;
	_ =	strace $0x9FFFFFFF  }
0xd2: {  	(tm) =	ssettm $0x7FFFFFFF  }
0xd3: {  	_ =	shalt  }
tec
execute0_lowered:
.L_overlay_start_1:
0x0: {  	(tag) =	ssettag $0x1  }
0x1: {  	s6 =	rddreg [dreg:$0x0]  }
0x2: {  	s8 =	rddreg [dreg:$0x1]  }
0x3: {  	s0 =	srdreg.scid;
	s2 =	rddreg [dreg:$0x2];
	s3 =	simm.s32 $0x0  }
0x4: {  	s14 =	simm.s32 $0x400;
	s15 =	simm.s32 $0x50;
	s16 =	simm.s32 $0x6780  }
0x5: {  	s17 =	simm.s32 $0x1;
	s5 =	sand.u32 $0x1, s0;
	s0 =	stileid.u32  }
0x6: {  	s18 =	simm.s32 $0x0;
	[smem:$0x7FF] =	sst s3;
	s28 =	smul.u32 $0x14000, s0  }
0x7: {  	s1 =	sshll.u32 s5, $0x4;
	s9 =	sshll.u32 s0, $0x7;
	s11 =	smul.u32 $0x140000, s5  }
0x8: {  	s5 =	ssub.s32 $0x2, s5;
	s29 =	smul.u32 $0x50000, s0;
	s31 =	sshll.u32 s0, $0x6  }
0x9: {  	s7 =	sor.u32 s0, s1;
	s9 =	sand.u32 $0x380, s9;
	s13 =	sshrl.u32 s5, $0x1  }
0xa: {  	s1 =	sshrl.u32 s7, $0x3;
	s12 =	sshrl.u32 s28, $0x3;
	s13 =	ssub.s32 s5, s13  }
0xb: {  	s30 =	sshrl.u32 s29, $0x2;
	s7 =	sshll.u32 s7, $0xB;
	s4 =	smul.u32 $0x13C00, s1  }
0xc: {  	s1 =	rddreg [dreg:$0x3];
	s12 =	sadd.s32 s12, s6;
	s8 =	sadd.s32 s7, s8  }
0xd: {  	_ =	strace $0x8000004A;
	s5 =	sadd.s32 $0x37000, s12;
	s8 =	sadd.s32 $0x10000, s8  }
0xe: {  	s12 =	simm.s32 $0x2;
	s4 =	sor.u32 s9, s4;
	s9 =	sadd.s32 s28, s11  }
0xf: {  	s11 =	sadd.s32 s30, s2;
	s10 =	sshrl.u32 s4, $0x3;
	s4 =	sadd.s32 $0x5F000, s6  }
0x10: {  	s9 =	sshrl.u32 s9, $0x3;
	s11 =	sshrl.u32 s11, $0x3;
	s10 =	sadd.s32 s10, s6  }
0x11: {  	s9 =	sadd.s32 s9, s6;
	s6 =	sor.u32 $0x1C02, s31;
	s7 =	sadd.s32 $0xD7000, s10  }
0x12: {  	s9 =	sadd.s32 $0xEAC00, s9;
	s10 =	smax.u32 s13, $0x1;
	s13 =	simm.s32 $0x80  }
.LBB2_1:
0x13: {  	[spmem:s11], [sflag:s6] =	dma.local [hbm:s5], $0x2800  }
0x14: {  	_ =	swait.ge [sflag:s12], $0x2800  }
0x15: {  	[sflag:s12] =	ssyncset.done $0x0  }
0x16: {  	[sflag:s12] =	ssyncadd.s32 $0xFFFFD800  }
0x17: {  	[tilespmem:s3], [sflag:$0x2] =	stream.strided.gather [hbm4b:s7+s13], $0x2780, s14, s13, $0x38;
	[tilespmem:$0x1CF80] =	vst v63  }
0x18: {  	_ =	swait.ge [sflag:s12], $0x2780  }
0x19: {  	[sflag:s12] =	ssyncset.done $0x0  }
0x1a: {  	s19 =	simm.s32 $0x2780;
	[sflag:s12] =	ssyncadd.s32 $0xFFFFD880  }
0x1b: {  	[tilespmem:s19], [sflag:$0x2] =	stream.linear.gather [hbm4b:s8+s3], $0x3E80, $0x38;
	[tilespmem:$0x1CF80] =	vst v63  }
0x1c: {  	_ =	swait.ge [sflag:s12], $0x3E80  }
0x1d: {  	[sflag:s12] =	ssyncset.done $0x0  }
0x1e: {  	[sflag:s12] =	ssyncadd.s32 $0xFFFFC180  }
0x1f: {  	s20 =	simm.s32 $0x0;
	[bflag:$0x0] =	sbarrier.arrive $0xFFFF  }
0x20: {  	[tilespmem:s16], [sflag:$0x1] =	stream.indirect.gather [hbm4b:s4+s15], $0x80, s20, s15, $0xb8;
	[tilespmem:$0x1CF80] =	vst v63  }
0x21: {  	_ =	swait.ge [sflag:s17], $0x2800  }
0x22: {  	[sflag:s17] =	ssyncset.done $0x0  }
0x23: {  	[sflag:s17] =	ssyncadd.s32 $0xFFFFD800  }
0x24: {  	[spmem:s2] =	stream.indirect.scatter.add.f32 [tilespmem:s16], [sflag:$0x2], $0x80, s19, s15, $0xb8;
	[tilespmem:$0x1CF80] =	vst v63  }
0x25: {  	s21 =	simm.s32 $0x280;
	_ =	swait.ge [sflag:s12], $0x2800  }
0x26: {  	s20 =	simm.s32 $0x140;
	s19 =	simm.s32 $0x2800;
	[sflag:s12] =	ssyncset.done $0x0  }
.LBB2_2:
0x27: {  	s22 =	sshra.s32 s20, $0x2  }
0x28: {  	[sflag:s12] =	ssyncadd.s32 $0xFFFFD800;
	s20 =	smov.u32 s21;
	s23 =	sadd.s32 $0x140, s21  }
0x29: {  	[tilespmem:s16], [sflag:$0x1] =	stream.indirect.gather [hbm4b:s4+s15], $0x80, s22, s15, $0xb8;
	[tilespmem:$0x1CF80] =	vst v63  }
0x2a: {  	p0 =	sne.s32 s21, $0x9B00;
	_ =	swait.ge [sflag:s17], $0x2800  }
.Ltmp0:
0x2b: {  	[sflag:s17] =	ssyncset.done $0x0;
	(pc) =	sbr.rel @p0 .LBB2_2-.Ltmp0, $4  }
0x2c: {  	[sflag:s17] =	ssyncadd.s32 $0xFFFFD800  }
0x2d: {  	[spmem:s2] =	stream.indirect.scatter.add.f32 [tilespmem:s16], [sflag:$0x2], $0x80, s19, s15, $0xb8;
	[tilespmem:$0x1CF80] =	vst v63  }
0x2e: {  	_ =	swait.ge [sflag:s12], $0x2800  }
0x2f: {  	s21 =	smov.u32 s23;
	s19 =	sadd.s32 $0x80, s19;
	[sflag:s12] =	ssyncset.done $0x0  }
0x30: {  	s20 =	sshra.s32 s20, $0x2;
	[sflag:s12] =	ssyncadd.s32 $0xFFFFD800  }
0x31: {  	[tilespmem:s16], [sflag:$0x1] =	stream.indirect.gather [hbm4b:s4+s15], $0x80, s20, s15, $0xb8;
	[tilespmem:$0x1CF80] =	vst v63  }
0x32: {  	_ =	swait.ge [sflag:s17], $0x2800  }
0x33: {  	[sflag:s17] =	ssyncset.done $0x0  }
0x34: {  	[sflag:s17] =	ssyncadd.s32 $0xFFFFD800  }
0x35: {  	[spmem:s2] =	stream.indirect.scatter.add.f32 [tilespmem:s16], [sflag:$0x2], $0x80, s19, s15, $0xb8;
	[tilespmem:$0x1CF80] =	vst v63  }
0x36: {  	_ =	swait.ge [sflag:s12], $0x2800  }
0x37: {  	s18 =	sadd.s32 $0x1, s18;
	[sflag:s12] =	ssyncset.done $0x0  }
0x38: {  	p0 =	sne.s32 s18, s10;
	[sflag:s12] =	ssyncadd.s32 $0xFFFFD800  }
.Ltmp1:
0x39: {  	[bflag:$0x0] =	sbarrier.arrive $0xFFFF;
	(pc) =	sbr.rel @p0 .LBB2_1-.Ltmp1, $4  }
0x3a: {  	[hbm:s9], [sflag:s6] =	dma.local [spmem:s11], $0x2800  }
0x3b: {  	_ =	swait.ge [sflag:s12], $0x2800  }
0x3c: {  	[sflag:s12] =	ssyncset.done $0x0  }
0x3d: {  	[sflag:s12] =	ssyncadd.s32 $0xFFFFD800  }
0x3e: {  	_ =	sfence.sel $0x180000  }
0x3f: {  	[bflag:$0x0] =	sbarrier.arrive $0xFFFF  }
0x40: {  	p0 =	sne.s32 s0, $0x0;
	_ =	strace $0x9000004A  }
0x41: {  	s0 =	sadd.s32 @!p0 $0x100000, s1;
	[bflag:$0x2] =	sbarrier.arrive $0xFFFF  }
0x42: {  	[sflag:s0] =	ssyncadd.tile.s32 @!p0 $0x1;
	_ =	shalt  }
.Lfunc_end2:
_tile_overlayer_lowered:
.L_overlay_start_2:
0x43: {  	(tag) =	ssettag $0x2  }
0x44: {  	s0 =	rddreg [dreg:$0x0];
	s2 =	stileid.u32  }
0x45: {  	s1 =	rddreg [dreg:$0x1];
	p0 =	sne.s32 s2, $0x0  }
0x46: {  	s3 =	rddreg [dreg:$0x2];
	[bflag:$0x3] =	sbarrier.arrive $0xFFFF;
	s2 =	simm.s32 @!p0 $0x1C02  }
0x47: {  	[timem:s3], [sflag:s2] =	dma.local @!p0 [hbm:s0], s1  }
0x48: {  	s0 =	simm.s32 @!p0 $0x2  }
0x49: {  	_ =	swait.ge @!p0 [sflag:s0], s1  }
0x4a: {  	s1 =	ssub.s32 @!p0 $0x0, s1;
	[sflag:s0] =	ssyncset.done @!p0 $0x0  }
0x4b: {  	[sflag:s0] =	ssyncadd.s32 @!p0 s1  }
0x4c: {  	[bflag:$0x3] =	sbarrier.arrive $0xFFFF  }
0x4d: {  	_ =	shalt  }

// kernel: kernel.17.cloned.1.call-start
scs
__scs_entry_jumppad:
0x0: {  	(pc) =	sbr.rel $0x88, $3  }
0x1: {  	(tag) =	ssettag $0x0;
	lr =	simm.s32 $0x1  }
0x2: {  	[smem:$0x3F99] =	sst lr;
	_ =	strace $0xD0000000  }
0x3: {  	_ = 	snop  }
0x4: {  	_ = 	snop  }
0x5: {  	_ = 	snop  }
0x6: {  	_ = 	snop  }
0x7: {  	_ = 	snop  }
__scs_overlays_trampoline_lowered:
0x8: {  	[smem:$0x3FA8] =	sst s0  }
0x9: {  	[smem:$0x3FA9] =	sst s1  }
0xa: {  	[smem:$0x3FAA] =	sst s2  }
0xb: {  	[smem:$0x3FAB] =	sst s3  }
0xc: {  	[smem:$0x3FAC] =	sst s4  }
0xd: {  	[smem:$0x3FAD] =	sst s5  }
0xe: {  	[smem:$0x3FAE] =	sst s6  }
0xf: {  	[smem:$0x3FAF] =	sst s7  }
0x10: {  	[smem:$0x3FB0] =	sst s8  }
0x11: {  	[smem:$0x3FB1] =	sst s9;
	s0 =	simm.s32 @!p0 $0x0  }
0x12: {  	s1 =	sld [smem:$0x3F97];
	s0 =	simm.s32 @p0 $0x1  }
0x13: {  	[smem:$0x3FB2] =	sst s0;
	s0 =	simm.s32 @!p1 $0x0  }
0x14: {  	s2 =	sld [smem:$0x3F96];
	s0 =	simm.s32 @p1 $0x1  }
0x15: {  	[smem:$0x3FB3] =	sst s0;
	s0 =	simm.s32 @!p2 $0x0  }
0x16: {  	s3 =	sld [smem:$0x3FDB];
	s0 =	simm.s32 @p2 $0x1  }
0x17: {  	s4 =	simm.s32 $0x1BF5;
	[smem:$0x3FB5] =	sst s0  }
0x18: {  	s0 =	sld [smem:$0x3F98];
	_ =	swait.ge [sflag:s4], $0x0  }
0x19: {  	s7 =	sld [smem:$0x3F99]  }
0x1a: {  	s8 =	sadd.s32 $0xFFFFE003, lr  }
0x1b: {  	s9 =	sadd.s32 $0xFFFFFEF7, lr;
	s5 =	simm.s32 $0xFFFFFFFF;
	p2 =	slt.u32 s8, $0xFFFFF086  }
0x1c: {  	p1 =	slt.u32 s9, $0xF7A;
	s5 =	simm.s32 @!p2 $0x0  }
0x1d: {  	s5 =	simm.s32 @p1 $0x1;
	p0 =	seq.s32 s7, s2  }
0x1e: {  	s7 =	smul.u32 @!p0 $0xF7A, s2;
	p2 =	seq.s32 @!p0 s5, $0x0  }
0x1f: {  	s9 =	smul.u32 $0xF7A, s1;
	s8 =	simm.s32 @!p0 $0x1BF5;
	p2 =	por !p2, p0  }
0x20: {  	[sflag:s8] =	ssyncset.s32 @!p0 $0xFFFFF086;
	s6 =	sadd.s32 @!p0 s3, s7;
	s7 =	simm.s32 @!p0 $0x108  }
0x21: {  	s3 =	sadd.s32 s3, s9;
	s6 =	sadd.s32 @!p0 $0x88, s6;
	s7 =	simm.s32 @p2 $0x1082  }
0x22: {  	[simem:s7], [sflag:s8] =	dma.local @!p0 [hbm:s6], $0xF7A  }
0x23: {  	s9 =	sor.u32 $0xD0000000, s2;
	s6 =	simm.s32 $0x108;
	_ =	swait.ge @!p0 [sflag:s8], $0x0  }
0x24: {  	s3 =	sadd.s32 $0x88, s3;
	s6 =	simm.s32 @!p1 $0x1082;
	[sflag:s4] =	ssyncset.s32 $0xFFFFF086  }
0x25: {  	[simem:s6], [sflag:s4] =	dma.local [hbm:s3], $0xF7A  }
0x26: {  	[smem:$0x3F99] =	sst s1;
	(tag) =	ssettag s2;
	_ =	strace s9  }
0x27: {  	s1 =	sld [smem:$0x3FA9]  }
0x28: {  	s2 =	sld [smem:$0x3FAA]  }
0x29: {  	s4 =	sld [smem:$0x3FAC]  }
0x2a: {  	p0 =	seq.s32 s5, $0x0;
	s5 =	sld [smem:$0x3FAD]  }
0x2b: {  	s6 =	sld [smem:$0x3FAE]  }
0x2c: {  	s7 =	sld [smem:$0x3FAF]  }
0x2d: {  	s3 =	simm.s32 $0x108;
	s8 =	sld [smem:$0x3FB0]  }
0x2e: {  	s3 =	simm.s32 @!p0 $0x1082;
	s9 =	sld [smem:$0x3FB1]  }
0x2f: {  	lr =	sadd.s32 s0, s3;
	s0 =	sld [smem:$0x3FA8]  }
0x30: {  	s3 =	sld [smem:$0x3FAB]  }
0x31: {  	[smem:$0x3FB4] =	sst s10  }
0x32: {  	s10 =	sld [smem:$0x3FB2];
	_ =	sdelay $0x3  }
0x33: {  	p0 =	seq.s32 s10, $0x1;
	s10 =	sld [smem:$0x3FB4];
	_ =	sdelay $0x3  }
0x34: {  	[smem:$0x3FB4] =	sst s10  }
0x35: {  	s10 =	sld [smem:$0x3FB3];
	_ =	sdelay $0x3  }
0x36: {  	p1 =	seq.s32 s10, $0x1;
	s10 =	sld [smem:$0x3FB4];
	_ =	sdelay $0x3  }
0x37: {  	[smem:$0x3FB4] =	sst s10  }
0x38: {  	s10 =	sld [smem:$0x3FB5]  }
0x39: {  	_ = 	snop;
	(pc) =	sbr.ind lr, $3  }
0x3a: {  	_ = 	snop  }
0x3b: {  	_ = 	snop  }
0x3c: {  	p2 =	seq.s32 s10, $0x1;
	s10 =	sld [smem:$0x3FB4]  }
0x3d: {  	_ =	shalt  }
0x3e: {  	_ =	shalt  }
0x3f: {  	_ =	shalt  }
0x40: {  	_ =	shalt  }
0x41: {  	_ =	shalt  }
0x42: {  	_ =	shalt  }
0x43: {  	_ =	shalt  }
0x44: {  	_ =	shalt  }
0x45: {  	_ =	shalt  }
0x46: {  	_ =	shalt  }
0x47: {  	_ =	shalt  }
0x48: {  	_ =	shalt  }
0x49: {  	_ =	shalt  }
0x4a: {  	_ =	shalt  }
0x4b: {  	_ =	shalt  }
0x4c: {  	_ =	shalt  }
0x4d: {  	_ =	shalt  }
0x4e: {  	_ =	shalt  }
0x4f: {  	_ =	shalt  }
0x50: {  	_ =	shalt  }
0x51: {  	_ =	shalt  }
0x52: {  	_ =	shalt  }
0x53: {  	_ =	shalt  }
0x54: {  	_ =	shalt  }
0x55: {  	_ =	shalt  }
0x56: {  	_ =	shalt  }
0x57: {  	_ =	shalt  }
0x58: {  	_ =	shalt  }
0x59: {  	_ =	shalt  }
0x5a: {  	_ =	shalt  }
0x5b: {  	_ =	shalt  }
0x5c: {  	_ =	shalt  }
0x5d: {  	_ =	shalt  }
0x5e: {  	_ =	shalt  }
0x5f: {  	_ =	shalt  }
0x60: {  	_ =	shalt  }
0x61: {  	_ =	shalt  }
0x62: {  	_ =	shalt  }
0x63: {  	_ =	shalt  }
0x64: {  	_ =	shalt  }
0x65: {  	_ =	shalt  }
0x66: {  	_ =	shalt  }
0x67: {  	_ =	shalt  }
0x68: {  	_ =	shalt  }
0x69: {  	_ =	shalt  }
0x6a: {  	_ =	shalt  }
0x6b: {  	_ =	shalt  }
0x6c: {  	_ =	shalt  }
0x6d: {  	_ =	shalt  }
0x6e: {  	_ =	shalt  }
0x6f: {  	_ =	shalt  }
0x70: {  	_ =	shalt  }
0x71: {  	_ =	shalt  }
0x72: {  	_ =	shalt  }
0x73: {  	_ =	shalt  }
0x74: {  	_ =	shalt  }
0x75: {  	_ =	shalt  }
0x76: {  	_ =	shalt  }
0x77: {  	_ =	shalt  }
0x78: {  	_ =	shalt  }
0x79: {  	_ =	shalt  }
0x7a: {  	_ =	shalt  }
0x7b: {  	_ =	shalt  }
0x7c: {  	_ =	shalt  }
0x7d: {  	_ =	shalt  }
0x7e: {  	_ =	shalt  }
0x7f: {  	_ =	shalt  }
0x80: {  	_ =	shalt  }
0x81: {  	_ =	shalt  }
0x82: {  	_ =	shalt  }
0x83: {  	_ =	shalt  }
0x84: {  	_ =	shalt  }
0x85: {  	_ =	shalt  }
0x86: {  	_ =	shalt  }
0x87: {  	_ =	shalt  }
.Lfunc_end0:
.L_simem_size_0:
called_computation.2_lowered:
.L_overlay_start_0:
0x88: {  	s2 =	sld [smem:$0x3FD9]  }
0x89: {  	s3 =	sld [smem:$0x3FFE];
	_ =	sdelay $0x1  }
0x8a: {  	s1 =	srdreg.scid  }
0x8b: {  	s0 =	sand.u32 $0x1, s1  }
0x8c: {  	s16 =	sshll.u32 s0, $0xA;
	s2 =	sadd.s32 s3, s2  }
0x8d: {  	s2 =	sadd.s32 s2, s16  }
0x8e: {  	[smem:$0x3FC0] =	sst s2  }
0x8f: {  	_ = 	snop  }
0x90: {  	(tm) =	ssettm $0x1  }
0x91: {  	s17 =	sld [smem:$0x3FFB];
	_ =	sdelay $0x3  }
0x92: {  	_ =	strace s17  }
0x93: {  	s2 =	sld [smem:$0x3FFC];
	_ =	sdelay $0x3  }
0x94: {  	_ =	strace s2  }
0x95: {  	s2 =	sld [smem:$0x3FFD];
	_ =	sdelay $0x3  }
0x96: {  	_ =	strace s2  }
0x97: {  	_ =	strace $0x8FFFFFFF  }
0x98: {  	s18 =	sld [smem:$0x3FDB];
	_ =	sdelay $0x1  }
0x99: {  	s19 =	simm.s32 $_scs_section_size  }
0x9a: {  	s4 =	simm.s32 $_size__tile_overlayer_lowered;
	s5 =	simm.s32 $_tile_overlayer_lowered  }
0x9b: {  	s22 =	simm.s32 $0x1BFF;
	s21 =	sshll.u32 s5, $0x1;
	s2 =	sadd.s32 s19, s18  }
0x9c: {  	s6 =	simm.s32 $0x0;
	s20 =	sshll.u32 s4, $0x1;
	s4 =	sadd.s32 s21, s2  }
0x9d: {  	[timem:s6], [sflag:s22] =	dma.local [hbm:s4], s20  }
0x9e: {  	_ =	swait.ge [sflag:s22], s20  }
0x9f: {  	s3 =	ssub.s32 $0x0, s20;
	[sflag:s22] =	ssyncset.done $0x0  }
0xa0: {  	[sflag:s22] =	ssyncadd.s32 s3;
	_ =	sdelay $0x1  }
0xa1: {  	s23 =	simm.s32 $0x1B8B  }
0xa2: {  	_ =	swait.ge [sflag:s23], $0x1  }
0xa3: {  	[sflag:s23] =	ssyncset.done $0x0  }
0xa4: {  	s25 =	simm.s32 $0x1B8E;
	s24 =	sld [smem:$0x3FFE];
	[sflag:s23] =	ssyncadd.s32 $0xFFFFFFFF  }
0xa5: {  	s26 =	simm.s32 $execute0_lowered;
	[smem:$0x3FD2] =	sst s25  }
0xa6: {  	s4 =	sshll.u32 s26, $0x1;
	_ =	strace $0x8000004C;
	[dreg:$0x1] =	wrdreg $0xFFFFFFFF  }
0xa7: {  	s28 =	simm.s32 $_size_execute0_lowered;
	s2 =	sadd.s32 s2, s4;
	[dreg:$0x0] =	wrdreg $0x0  }
0xa8: {  	s4 =	sshll.u32 s28, $0x1;
	[dreg:$0x2] =	wrdreg s2  }
0xa9: {  	[dreg:$0x3] =	wrdreg s4  }
0xaa: {  	[dreg:$0x4] =	wrdreg $0xC0  }
0xab: {  	_ =	task [dreg:s6], $0x5FFFF  }
0xac: {  	[dreg:$0x1] =	wrdreg $0xFFFFFFFF  }
0xad: {  	[dreg:$0x0] =	wrdreg $0x60  }
0xae: {  	[dreg:$0x2] =	wrdreg s24  }
0xaf: {  	[dreg:$0x3] =	wrdreg $0x8F800  }
0xb0: {  	[dreg:$0x4] =	wrdreg $0x9  }
0xb1: {  	_ =	task.clear_ibuf [dreg:s6], $0x5FFFF;
	_ =	strace $0x9000004C  }
0xb2: {  	s29 =	simm.s32 $0x9;
	_ =	strace $0x8000004E  }
0xb3: {  	_ =	swait.ge [sflag:s29], $0x1  }
0xb4: {  	[sflag:s29] =	ssyncadd.s32 $0xFFFFFFFF  }
0xb5: {  	_ =	strace $0x9000004E  }
0xb6: {  	_ =	sfence  }
0xb7: {  	s30 =	sld [smem:$0x0];
	_ =	sdelay $0x2  }
0xb8: {  	s31 =	sshll.u32 s1, $0xD;
	s1 =	sshrl.u32 s1, $0x2  }
0xb9: {  	s3 =	sand.u32 $0x4000, s31;
	s1 =	sadd.s32 s1, s30  }
0xba: {  	s0 =	sor.u32 s3, s0;
	s1 =	sshll.u32 s1, $0x11  }
0xbb: {  	s0 =	sor.u32 s1, s0  }
0xbc: {  	s0 =	sadd.s32 $0x8F2B, s0  }
0xbd: {  	[sflag:s0] =	ssyncadd.remote.s32 $0x1  }
0xbe: {  	_ =	sfence.sel $0xFFFF  }
0xbf: {  	[dreg:$0x0] =	wrdreg $0xFFFFFFFF;
	(pc) =	sbr.abs _section_cstart, $3  }
0xc0: {  	[dreg:$0x1] =	wrdreg $0xFFFFFFFF  }
0xc1: {  	_ =	task.clear_ibuf [dreg:s6], $0x2FFFF;
	_ =	strace $0x9FFFFFFF  }
0xc2: {  	(tm) =	ssettm $0x7FFFFFFF  }
0xc3: {  	_ =	shalt  }
tec
execute0_lowered:
.L_overlay_start_1:
0x0: {  	(tag) =	ssettag $0x1  }
0x1: {  	s7 =	rddreg [dreg:$0x0]  }
0x2: {  	s0 =	srdreg.scid;
	s2 =	rddreg [dreg:$0x1];
	s3 =	simm.s32 $0x0  }
0x3: {  	s15 =	simm.s32 $0x50;
	s16 =	simm.s32 $0x6780;
	s17 =	simm.s32 $0x1  }
0x4: {  	s18 =	simm.s32 $0x0;
	s5 =	sand.u32 $0x1, s0;
	s0 =	stileid.u32  }
0x5: {  	[smem:$0x7FF] =	sst s3;
	s1 =	sshll.u32 s5, $0x4;
	s25 =	smul.u32 $0x14000, s0  }
0x6: {  	s8 =	sshll.u32 s0, $0x7;
	s10 =	smul.u32 $0x140000, s5;
	s5 =	ssub.s32 $0x2, s5  }
0x7: {  	s28 =	smul.u32 $0x50000, s0;
	s31 =	sshll.u32 s0, $0x6;
	s6 =	sor.u32 s0, s1  }
0x8: {  	s8 =	sand.u32 $0x380, s8;
	s29 =	sshrl.u32 s5, $0x1;
	s1 =	sshrl.u32 s6, $0x3  }
0x9: {  	s6 =	sshll.u32 s6, $0xB;
	s26 =	sshrl.u32 s25, $0x3;
	s13 =	ssub.s32 s5, s29  }
0xa: {  	s30 =	sshrl.u32 s28, $0x2;
	s4 =	smul.u32 $0x13C00, s1;
	s1 =	rddreg [dreg:$0x2]  }
0xb: {  	_ =	strace $0x8000004D;
	s11 =	sadd.s32 s6, s7;
	s6 =	sadd.s32 s26, s7  }
0xc: {  	s14 =	sadd.s32 s30, s2;
	s5 =	sadd.s32 $0x37000, s6;
	s6 =	sor.u32 $0x1C02, s31  }
0xd: {  	s4 =	sor.u32 s8, s4;
	s8 =	sadd.s32 s25, s10;
	s10 =	smax.u32 s13, $0x1  }
0xe: {  	s13 =	simm.s32 $0x80;
	s9 =	sshrl.u32 s4, $0x3;
	s8 =	sshrl.u32 s8, $0x3  }
0xf: {  	s4 =	sadd.s32 $0x5F000, s7;
	s9 =	sadd.s32 s9, s7;
	s12 =	sadd.s32 s8, s7  }
0x10: {  	s8 =	sadd.s32 $0x27000, s11;
	s11 =	sshrl.u32 s14, $0x3;
	s14 =	simm.s32 $0x400  }
0x11: {  	s7 =	sadd.s32 $0x3400, s9;
	s9 =	sadd.s32 $0x87000, s12;
	s12 =	simm.s32 $0x2  }
.LBB2_1:
0x12: {  	[spmem:s11], [sflag:s6] =	dma.local [hbm:s5], $0x2800  }
0x13: {  	_ =	swait.ge [sflag:s12], $0x2800  }
0x14: {  	[sflag:s12] =	ssyncset.done $0x0  }
0x15: {  	[sflag:s12] =	ssyncadd.s32 $0xFFFFD800  }
0x16: {  	[tilespmem:s3], [sflag:$0x2] =	stream.strided.gather [hbm4b:s7+s13], $0x2780, s14, s13, $0x38;
	[tilespmem:$0x1CF80] =	vst v63  }
0x17: {  	_ =	swait.ge [sflag:s12], $0x2780  }
0x18: {  	[sflag:s12] =	ssyncset.done $0x0  }
0x19: {  	s19 =	simm.s32 $0x2780;
	[sflag:s12] =	ssyncadd.s32 $0xFFFFD880  }
0x1a: {  	[tilespmem:s19], [sflag:$0x2] =	stream.linear.gather [hbm4b:s8+s3], $0x3E80, $0x38;
	[tilespmem:$0x1CF80] =	vst v63  }
0x1b: {  	_ =	swait.ge [sflag:s12], $0x3E80  }
0x1c: {  	[sflag:s12] =	ssyncset.done $0x0  }
0x1d: {  	[sflag:s12] =	ssyncadd.s32 $0xFFFFC180  }
0x1e: {  	s20 =	simm.s32 $0x0;
	[bflag:$0x0] =	sbarrier.arrive $0xFFFF  }
0x1f: {  	[tilespmem:s16], [sflag:$0x1] =	stream.indirect.gather [hbm4b:s4+s15], $0x80, s20, s15, $0xb8;
	[tilespmem:$0x1CF80] =	vst v63  }
0x20: {  	_ =	swait.ge [sflag:s17], $0x2800  }
0x21: {  	[sflag:s17] =	ssyncset.done $0x0  }
0x22: {  	[sflag:s17] =	ssyncadd.s32 $0xFFFFD800  }
0x23: {  	[spmem:s2] =	stream.indirect.scatter.add.f32 [tilespmem:s16], [sflag:$0x2], $0x80, s19, s15, $0xb8;
	[tilespmem:$0x1CF80] =	vst v63  }
0x24: {  	s21 =	simm.s32 $0x280;
	_ =	swait.ge [sflag:s12], $0x2800  }
0x25: {  	s20 =	simm.s32 $0x140;
	s19 =	simm.s32 $0x2800;
	[sflag:s12] =	ssyncset.done $0x0  }
.LBB2_2:
0x26: {  	s22 =	sshra.s32 s20, $0x2  }
0x27: {  	[sflag:s12] =	ssyncadd.s32 $0xFFFFD800;
	s20 =	smov.u32 s21;
	s23 =	sadd.s32 $0x140, s21  }
0x28: {  	[tilespmem:s16], [sflag:$0x1] =	stream.indirect.gather [hbm4b:s4+s15], $0x80, s22, s15, $0xb8;
	[tilespmem:$0x1CF80] =	vst v63  }
0x29: {  	p0 =	sne.s32 s21, $0x9B00;
	_ =	swait.ge [sflag:s17], $0x2800  }
.Ltmp0:
0x2a: {  	[sflag:s17] =	ssyncset.done $0x0;
	(pc) =	sbr.rel @p0 .LBB2_2-.Ltmp0, $4  }
0x2b: {  	[sflag:s17] =	ssyncadd.s32 $0xFFFFD800  }
0x2c: {  	[spmem:s2] =	stream.indirect.scatter.add.f32 [tilespmem:s16], [sflag:$0x2], $0x80, s19, s15, $0xb8;
	[tilespmem:$0x1CF80] =	vst v63  }
0x2d: {  	_ =	swait.ge [sflag:s12], $0x2800  }
0x2e: {  	s21 =	smov.u32 s23;
	s19 =	sadd.s32 $0x80, s19;
	[sflag:s12] =	ssyncset.done $0x0  }
0x2f: {  	s20 =	sshra.s32 s20, $0x2;
	[sflag:s12] =	ssyncadd.s32 $0xFFFFD800  }
0x30: {  	[tilespmem:s16], [sflag:$0x1] =	stream.indirect.gather [hbm4b:s4+s15], $0x80, s20, s15, $0xb8;
	[tilespmem:$0x1CF80] =	vst v63  }
0x31: {  	_ =	swait.ge [sflag:s17], $0x2800  }
0x32: {  	[sflag:s17] =	ssyncset.done $0x0  }
0x33: {  	[sflag:s17] =	ssyncadd.s32 $0xFFFFD800  }
0x34: {  	[spmem:s2] =	stream.indirect.scatter.add.f32 [tilespmem:s16], [sflag:$0x2], $0x80, s19, s15, $0xb8;
	[tilespmem:$0x1CF80] =	vst v63  }
0x35: {  	_ =	swait.ge [sflag:s12], $0x2800  }
0x36: {  	s18 =	sadd.s32 $0x1, s18;
	[sflag:s12] =	ssyncset.done $0x0  }
0x37: {  	p0 =	sne.s32 s18, s10;
	[sflag:s12] =	ssyncadd.s32 $0xFFFFD800  }
.Ltmp1:
0x38: {  	[bflag:$0x0] =	sbarrier.arrive $0xFFFF;
	(pc) =	sbr.rel @p0 .LBB2_1-.Ltmp1, $4  }
0x39: {  	[hbm:s9], [sflag:s6] =	dma.local [spmem:s11], $0x2800  }
0x3a: {  	_ =	swait.ge [sflag:s12], $0x2800  }
0x3b: {  	[sflag:s12] =	ssyncset.done $0x0  }
0x3c: {  	[sflag:s12] =	ssyncadd.s32 $0xFFFFD800  }
0x3d: {  	_ =	sfence.sel $0x180000  }
0x3e: {  	[bflag:$0x0] =	sbarrier.arrive $0xFFFF  }
0x3f: {  	p0 =	sne.s32 s0, $0x0;
	_ =	strace $0x9000004D  }
0x40: {  	s0 =	sadd.s32 @!p0 $0x100000, s1;
	[bflag:$0x2] =	sbarrier.arrive $0xFFFF  }
0x41: {  	[sflag:s0] =	ssyncadd.tile.s32 @!p0 $0x1;
	_ =	shalt  }
.Lfunc_end2:
_tile_overlayer_lowered:
.L_overlay_start_2:
0x42: {  	(tag) =	ssettag $0x2  }
0x43: {  	s0 =	rddreg [dreg:$0x0];
	s2 =	stileid.u32  }
0x44: {  	s1 =	rddreg [dreg:$0x1];
	p0 =	sne.s32 s2, $0x0  }
0x45: {  	s3 =	rddreg [dreg:$0x2];
	[bflag:$0x3] =	sbarrier.arrive $0xFFFF;
	s2 =	simm.s32 @!p0 $0x1C02  }
0x46: {  	[timem:s3], [sflag:s2] =	dma.local @!p0 [hbm:s0], s1  }
0x47: {  	s0 =	simm.s32 @!p0 $0x2  }
0x48: {  	_ =	swait.ge @!p0 [sflag:s0], s1  }
0x49: {  	s1 =	ssub.s32 @!p0 $0x0, s1;
	[sflag:s0] =	ssyncset.done @!p0 $0x0  }
0x4a: {  	[sflag:s0] =	ssyncadd.s32 @!p0 s1  }
0x4b: {  	[bflag:$0x3] =	sbarrier.arrive $0xFFFF  }
0x4c: {  	_ =	shalt  }

// kernel: kernel.20.cloned.1.call-start
scs
__scs_entry_jumppad:
0x0: {  	(pc) =	sbr.rel $0x88, $3  }
0x1: {  	(tag) =	ssettag $0x0;
	lr =	simm.s32 $0x1  }
0x2: {  	[smem:$0x3F99] =	sst lr;
	_ =	strace $0xD0000000  }
0x3: {  	_ = 	snop  }
0x4: {  	_ = 	snop  }
0x5: {  	_ = 	snop  }
0x6: {  	_ = 	snop  }
0x7: {  	_ = 	snop  }
__scs_overlays_trampoline_lowered:
0x8: {  	[smem:$0x3FA8] =	sst s0  }
0x9: {  	[smem:$0x3FA9] =	sst s1  }
0xa: {  	[smem:$0x3FAA] =	sst s2  }
0xb: {  	[smem:$0x3FAB] =	sst s3  }
0xc: {  	[smem:$0x3FAC] =	sst s4  }
0xd: {  	[smem:$0x3FAD] =	sst s5  }
0xe: {  	[smem:$0x3FAE] =	sst s6  }
0xf: {  	[smem:$0x3FAF] =	sst s7  }
0x10: {  	[smem:$0x3FB0] =	sst s8  }
0x11: {  	[smem:$0x3FB1] =	sst s9;
	s0 =	simm.s32 @!p0 $0x0  }
0x12: {  	s1 =	sld [smem:$0x3F97];
	s0 =	simm.s32 @p0 $0x1  }
0x13: {  	[smem:$0x3FB2] =	sst s0;
	s0 =	simm.s32 @!p1 $0x0  }
0x14: {  	s2 =	sld [smem:$0x3F96];
	s0 =	simm.s32 @p1 $0x1  }
0x15: {  	[smem:$0x3FB3] =	sst s0;
	s0 =	simm.s32 @!p2 $0x0  }
0x16: {  	s3 =	sld [smem:$0x3FDB];
	s0 =	simm.s32 @p2 $0x1  }
0x17: {  	s4 =	simm.s32 $0x1BF5;
	[smem:$0x3FB5] =	sst s0  }
0x18: {  	s0 =	sld [smem:$0x3F98];
	_ =	swait.ge [sflag:s4], $0x0  }
0x19: {  	s7 =	sld [smem:$0x3F99]  }
0x1a: {  	s8 =	sadd.s32 $0xFFFFE003, lr  }
0x1b: {  	s9 =	sadd.s32 $0xFFFFFEF7, lr;
	s5 =	simm.s32 $0xFFFFFFFF;
	p2 =	slt.u32 s8, $0xFFFFF086  }
0x1c: {  	p1 =	slt.u32 s9, $0xF7A;
	s5 =	simm.s32 @!p2 $0x0  }
0x1d: {  	s5 =	simm.s32 @p1 $0x1;
	p0 =	seq.s32 s7, s2  }
0x1e: {  	s7 =	smul.u32 @!p0 $0xF7A, s2;
	p2 =	seq.s32 @!p0 s5, $0x0  }
0x1f: {  	s9 =	smul.u32 $0xF7A, s1;
	s8 =	simm.s32 @!p0 $0x1BF5;
	p2 =	por !p2, p0  }
0x20: {  	[sflag:s8] =	ssyncset.s32 @!p0 $0xFFFFF086;
	s6 =	sadd.s32 @!p0 s3, s7;
	s7 =	simm.s32 @!p0 $0x108  }
0x21: {  	s3 =	sadd.s32 s3, s9;
	s6 =	sadd.s32 @!p0 $0x88, s6;
	s7 =	simm.s32 @p2 $0x1082  }
0x22: {  	[simem:s7], [sflag:s8] =	dma.local @!p0 [hbm:s6], $0xF7A  }
0x23: {  	s9 =	sor.u32 $0xD0000000, s2;
	s6 =	simm.s32 $0x108;
	_ =	swait.ge @!p0 [sflag:s8], $0x0  }
0x24: {  	s3 =	sadd.s32 $0x88, s3;
	s6 =	simm.s32 @!p1 $0x1082;
	[sflag:s4] =	ssyncset.s32 $0xFFFFF086  }
0x25: {  	[simem:s6], [sflag:s4] =	dma.local [hbm:s3], $0xF7A  }
0x26: {  	[smem:$0x3F99] =	sst s1;
	(tag) =	ssettag s2;
	_ =	strace s9  }
0x27: {  	s1 =	sld [smem:$0x3FA9]  }
0x28: {  	s2 =	sld [smem:$0x3FAA]  }
0x29: {  	s4 =	sld [smem:$0x3FAC]  }
0x2a: {  	p0 =	seq.s32 s5, $0x0;
	s5 =	sld [smem:$0x3FAD]  }
0x2b: {  	s6 =	sld [smem:$0x3FAE]  }
0x2c: {  	s7 =	sld [smem:$0x3FAF]  }
0x2d: {  	s3 =	simm.s32 $0x108;
	s8 =	sld [smem:$0x3FB0]  }
0x2e: {  	s3 =	simm.s32 @!p0 $0x1082;
	s9 =	sld [smem:$0x3FB1]  }
0x2f: {  	lr =	sadd.s32 s0, s3;
	s0 =	sld [smem:$0x3FA8]  }
0x30: {  	s3 =	sld [smem:$0x3FAB]  }
0x31: {  	[smem:$0x3FB4] =	sst s10  }
0x32: {  	s10 =	sld [smem:$0x3FB2];
	_ =	sdelay $0x3  }
0x33: {  	p0 =	seq.s32 s10, $0x1;
	s10 =	sld [smem:$0x3FB4];
	_ =	sdelay $0x3  }
0x34: {  	[smem:$0x3FB4] =	sst s10  }
0x35: {  	s10 =	sld [smem:$0x3FB3];
	_ =	sdelay $0x3  }
0x36: {  	p1 =	seq.s32 s10, $0x1;
	s10 =	sld [smem:$0x3FB4];
	_ =	sdelay $0x3  }
0x37: {  	[smem:$0x3FB4] =	sst s10  }
0x38: {  	s10 =	sld [smem:$0x3FB5]  }
0x39: {  	_ = 	snop;
	(pc) =	sbr.ind lr, $3  }
0x3a: {  	_ = 	snop  }
0x3b: {  	_ = 	snop  }
0x3c: {  	p2 =	seq.s32 s10, $0x1;
	s10 =	sld [smem:$0x3FB4]  }
0x3d: {  	_ =	shalt  }
0x3e: {  	_ =	shalt  }
0x3f: {  	_ =	shalt  }
0x40: {  	_ =	shalt  }
0x41: {  	_ =	shalt  }
0x42: {  	_ =	shalt  }
0x43: {  	_ =	shalt  }
0x44: {  	_ =	shalt  }
0x45: {  	_ =	shalt  }
0x46: {  	_ =	shalt  }
0x47: {  	_ =	shalt  }
0x48: {  	_ =	shalt  }
0x49: {  	_ =	shalt  }
0x4a: {  	_ =	shalt  }
0x4b: {  	_ =	shalt  }
0x4c: {  	_ =	shalt  }
0x4d: {  	_ =	shalt  }
0x4e: {  	_ =	shalt  }
0x4f: {  	_ =	shalt  }
0x50: {  	_ =	shalt  }
0x51: {  	_ =	shalt  }
0x52: {  	_ =	shalt  }
0x53: {  	_ =	shalt  }
0x54: {  	_ =	shalt  }
0x55: {  	_ =	shalt  }
0x56: {  	_ =	shalt  }
0x57: {  	_ =	shalt  }
0x58: {  	_ =	shalt  }
0x59: {  	_ =	shalt  }
0x5a: {  	_ =	shalt  }
0x5b: {  	_ =	shalt  }
0x5c: {  	_ =	shalt  }
0x5d: {  	_ =	shalt  }
0x5e: {  	_ =	shalt  }
0x5f: {  	_ =	shalt  }
0x60: {  	_ =	shalt  }
0x61: {  	_ =	shalt  }
0x62: {  	_ =	shalt  }
0x63: {  	_ =	shalt  }
0x64: {  	_ =	shalt  }
0x65: {  	_ =	shalt  }
0x66: {  	_ =	shalt  }
0x67: {  	_ =	shalt  }
0x68: {  	_ =	shalt  }
0x69: {  	_ =	shalt  }
0x6a: {  	_ =	shalt  }
0x6b: {  	_ =	shalt  }
0x6c: {  	_ =	shalt  }
0x6d: {  	_ =	shalt  }
0x6e: {  	_ =	shalt  }
0x6f: {  	_ =	shalt  }
0x70: {  	_ =	shalt  }
0x71: {  	_ =	shalt  }
0x72: {  	_ =	shalt  }
0x73: {  	_ =	shalt  }
0x74: {  	_ =	shalt  }
0x75: {  	_ =	shalt  }
0x76: {  	_ =	shalt  }
0x77: {  	_ =	shalt  }
0x78: {  	_ =	shalt  }
0x79: {  	_ =	shalt  }
0x7a: {  	_ =	shalt  }
0x7b: {  	_ =	shalt  }
0x7c: {  	_ =	shalt  }
0x7d: {  	_ =	shalt  }
0x7e: {  	_ =	shalt  }
0x7f: {  	_ =	shalt  }
0x80: {  	_ =	shalt  }
0x81: {  	_ =	shalt  }
0x82: {  	_ =	shalt  }
0x83: {  	_ =	shalt  }
0x84: {  	_ =	shalt  }
0x85: {  	_ =	shalt  }
0x86: {  	_ =	shalt  }
0x87: {  	_ =	shalt  }
.Lfunc_end0:
.L_simem_size_0:
called_computation.3_lowered:
.L_overlay_start_0:
0x88: {  	s2 =	sld [smem:$0x3FD9]  }
0x89: {  	s3 =	sld [smem:$0x3FFE];
	_ =	sdelay $0x1  }
0x8a: {  	s1 =	srdreg.scid  }
0x8b: {  	s0 =	sand.u32 $0x1, s1  }
0x8c: {  	s16 =	sshll.u32 s0, $0xA;
	s2 =	sadd.s32 s3, s2  }
0x8d: {  	s2 =	sadd.s32 s2, s16  }
0x8e: {  	[smem:$0x3FC0] =	sst s2  }
0x8f: {  	_ = 	snop  }
0x90: {  	(tm) =	ssettm $0x1  }
0x91: {  	s17 =	sld [smem:$0x3FFB];
	_ =	sdelay $0x3  }
0x92: {  	_ =	strace s17  }
0x93: {  	s2 =	sld [smem:$0x3FFC];
	_ =	sdelay $0x3  }
0x94: {  	_ =	strace s2  }
0x95: {  	s2 =	sld [smem:$0x3FFD];
	_ =	sdelay $0x3  }
0x96: {  	_ =	strace s2  }
0x97: {  	_ =	strace $0x8FFFFFFF  }
0x98: {  	s18 =	sld [smem:$0x3FDB];
	_ =	sdelay $0x1  }
0x99: {  	s19 =	simm.s32 $_scs_section_size  }
0x9a: {  	s4 =	simm.s32 $_size__tile_overlayer_lowered;
	s5 =	simm.s32 $_tile_overlayer_lowered  }
0x9b: {  	s22 =	simm.s32 $0x1BFF;
	s21 =	sshll.u32 s5, $0x1;
	s2 =	sadd.s32 s19, s18  }
0x9c: {  	s6 =	simm.s32 $0x0;
	s20 =	sshll.u32 s4, $0x1;
	s4 =	sadd.s32 s21, s2  }
0x9d: {  	[timem:s6], [sflag:s22] =	dma.local [hbm:s4], s20  }
0x9e: {  	_ =	swait.ge [sflag:s22], s20  }
0x9f: {  	s3 =	ssub.s32 $0x0, s20;
	[sflag:s22] =	ssyncset.done $0x0  }
0xa0: {  	[sflag:s22] =	ssyncadd.s32 s3;
	_ =	sdelay $0x1  }
0xa1: {  	s23 =	simm.s32 $0x1B8B  }
0xa2: {  	_ =	swait.ge [sflag:s23], $0x1  }
0xa3: {  	[sflag:s23] =	ssyncset.done $0x0  }
0xa4: {  	s25 =	simm.s32 $0x1B8E;
	s24 =	sld [smem:$0x3FFE];
	[sflag:s23] =	ssyncadd.s32 $0xFFFFFFFF  }
0xa5: {  	s26 =	simm.s32 $execute0_lowered;
	[smem:$0x3FD2] =	sst s25  }
0xa6: {  	s4 =	sshll.u32 s26, $0x1;
	_ =	strace $0x8000004F;
	[dreg:$0x1] =	wrdreg $0xFFFFFFFF  }
0xa7: {  	s28 =	simm.s32 $_size_execute0_lowered;
	s2 =	sadd.s32 s2, s4;
	[dreg:$0x0] =	wrdreg $0x0  }
0xa8: {  	s4 =	sshll.u32 s28, $0x1;
	[dreg:$0x2] =	wrdreg s2  }
0xa9: {  	[dreg:$0x3] =	wrdreg s4  }
0xaa: {  	[dreg:$0x4] =	wrdreg $0xC0  }
0xab: {  	_ =	task [dreg:s6], $0x5FFFF  }
0xac: {  	[dreg:$0x1] =	wrdreg $0xFFFFFFFF  }
0xad: {  	[dreg:$0x0] =	wrdreg $0x60  }
0xae: {  	[dreg:$0x2] =	wrdreg s24  }
0xaf: {  	[dreg:$0x3] =	wrdreg $0x8F800  }
0xb0: {  	[dreg:$0x4] =	wrdreg $0x9  }
0xb1: {  	_ =	task.clear_ibuf [dreg:s6], $0x5FFFF;
	_ =	strace $0x9000004F  }
0xb2: {  	s29 =	simm.s32 $0x9;
	_ =	strace $0x80000051  }
0xb3: {  	_ =	swait.ge [sflag:s29], $0x1  }
0xb4: {  	[sflag:s29] =	ssyncadd.s32 $0xFFFFFFFF  }
0xb5: {  	_ =	strace $0x90000051  }
0xb6: {  	_ =	sfence  }
0xb7: {  	s30 =	sld [smem:$0x0];
	_ =	sdelay $0x2  }
0xb8: {  	s31 =	sshll.u32 s1, $0xD;
	s1 =	sshrl.u32 s1, $0x2  }
0xb9: {  	s3 =	sand.u32 $0x4000, s31;
	s1 =	sadd.s32 s1, s30  }
0xba: {  	s0 =	sor.u32 s3, s0;
	s1 =	sshll.u32 s1, $0x11  }
0xbb: {  	s0 =	sor.u32 s1, s0  }
0xbc: {  	s0 =	sadd.s32 $0x8F2B, s0  }
0xbd: {  	[sflag:s0] =	ssyncadd.remote.s32 $0x1  }
0xbe: {  	_ =	sfence.sel $0xFFFF  }
0xbf: {  	[dreg:$0x0] =	wrdreg $0xFFFFFFFF;
	(pc) =	sbr.abs _section_cstart, $3  }
0xc0: {  	[dreg:$0x1] =	wrdreg $0xFFFFFFFF  }
0xc1: {  	_ =	task.clear_ibuf [dreg:s6], $0x2FFFF;
	_ =	strace $0x9FFFFFFF  }
0xc2: {  	(tm) =	ssettm $0x7FFFFFFF  }
0xc3: {  	_ =	shalt  }
tec
execute0_lowered:
.L_overlay_start_1:
0x0: {  	(tag) =	ssettag $0x1  }
0x1: {  	s7 =	rddreg [dreg:$0x0]  }
0x2: {  	s0 =	srdreg.scid;
	s2 =	rddreg [dreg:$0x1];
	s3 =	simm.s32 $0x0  }
0x3: {  	s15 =	simm.s32 $0x50;
	s16 =	simm.s32 $0x6780;
	s17 =	simm.s32 $0x1  }
0x4: {  	s18 =	simm.s32 $0x0;
	s5 =	sand.u32 $0x1, s0;
	s0 =	stileid.u32  }
0x5: {  	[smem:$0x7FF] =	sst s3;
	s1 =	sshll.u32 s5, $0x4;
	s25 =	smul.u32 $0x14000, s0  }
0x6: {  	s8 =	sshll.u32 s0, $0x7;
	s10 =	smul.u32 $0x140000, s5;
	s5 =	ssub.s32 $0x2, s5  }
0x7: {  	s28 =	smul.u32 $0x50000, s0;
	s31 =	sshll.u32 s0, $0x6;
	s6 =	sor.u32 s0, s1  }
0x8: {  	s8 =	sand.u32 $0x380, s8;
	s29 =	sshrl.u32 s5, $0x1;
	s1 =	sshrl.u32 s6, $0x3  }
0x9: {  	s6 =	sshll.u32 s6, $0xB;
	s26 =	sshrl.u32 s25, $0x3;
	s13 =	ssub.s32 s5, s29  }
0xa: {  	s30 =	sshrl.u32 s28, $0x2;
	s4 =	smul.u32 $0x13C00, s1;
	s1 =	rddreg [dreg:$0x2]  }
0xb: {  	_ =	strace $0x80000050;
	s11 =	sadd.s32 s6, s7;
	s6 =	sadd.s32 s26, s7  }
0xc: {  	s14 =	sadd.s32 s30, s2;
	s5 =	sadd.s32 $0x37000, s6;
	s6 =	sor.u32 $0x1C02, s31  }
0xd: {  	s4 =	sor.u32 s8, s4;
	s8 =	sadd.s32 s25, s10;
	s10 =	smax.u32 s13, $0x1  }
0xe: {  	s13 =	simm.s32 $0x80;
	s9 =	sshrl.u32 s4, $0x3;
	s8 =	sshrl.u32 s8, $0x3  }
0xf: {  	s4 =	sadd.s32 $0x5F000, s7;
	s9 =	sadd.s32 s9, s7;
	s12 =	sadd.s32 s8, s7  }
0x10: {  	s8 =	sadd.s32 $0x27000, s11;
	s11 =	sshrl.u32 s14, $0x3;
	s14 =	simm.s32 $0x400  }
0x11: {  	s7 =	sadd.s32 $0x3400, s9;
	s9 =	sadd.s32 $0x87000, s12;
	s12 =	simm.s32 $0x2  }
.LBB2_1:
0x12: {  	[spmem:s11], [sflag:s6] =	dma.local [hbm:s5], $0x2800  }
0x13: {  	_ =	swait.ge [sflag:s12], $0x2800  }
0x14: {  	[sflag:s12] =	ssyncset.done $0x0  }
0x15: {  	[sflag:s12] =	ssyncadd.s32 $0xFFFFD800  }
0x16: {  	[tilespmem:s3], [sflag:$0x2] =	stream.strided.gather [hbm4b:s7+s13], $0x2780, s14, s13, $0x38;
	[tilespmem:$0x1CF80] =	vst v63  }
0x17: {  	_ =	swait.ge [sflag:s12], $0x2780  }
0x18: {  	[sflag:s12] =	ssyncset.done $0x0  }
0x19: {  	s19 =	simm.s32 $0x2780;
	[sflag:s12] =	ssyncadd.s32 $0xFFFFD880  }
0x1a: {  	[tilespmem:s19], [sflag:$0x2] =	stream.linear.gather [hbm4b:s8+s3], $0x3E80, $0x38;
	[tilespmem:$0x1CF80] =	vst v63  }
0x1b: {  	_ =	swait.ge [sflag:s12], $0x3E80  }
0x1c: {  	[sflag:s12] =	ssyncset.done $0x0  }
0x1d: {  	[sflag:s12] =	ssyncadd.s32 $0xFFFFC180  }
0x1e: {  	s20 =	simm.s32 $0x0;
	[bflag:$0x0] =	sbarrier.arrive $0xFFFF  }
0x1f: {  	[tilespmem:s16], [sflag:$0x1] =	stream.indirect.gather [hbm4b:s4+s15], $0x80, s20, s15, $0xb8;
	[tilespmem:$0x1CF80] =	vst v63  }
0x20: {  	_ =	swait.ge [sflag:s17], $0x2800  }
0x21: {  	[sflag:s17] =	ssyncset.done $0x0  }
0x22: {  	[sflag:s17] =	ssyncadd.s32 $0xFFFFD800  }
0x23: {  	[spmem:s2] =	stream.indirect.scatter.add.f32 [tilespmem:s16], [sflag:$0x2], $0x80, s19, s15, $0xb8;
	[tilespmem:$0x1CF80] =	vst v63  }
0x24: {  	s21 =	simm.s32 $0x280;
	_ =	swait.ge [sflag:s12], $0x2800  }
0x25: {  	s20 =	simm.s32 $0x140;
	s19 =	simm.s32 $0x2800;
	[sflag:s12] =	ssyncset.done $0x0  }
.LBB2_2:
0x26: {  	s22 =	sshra.s32 s20, $0x2  }
0x27: {  	[sflag:s12] =	ssyncadd.s32 $0xFFFFD800;
	s20 =	smov.u32 s21;
	s23 =	sadd.s32 $0x140, s21  }
0x28: {  	[tilespmem:s16], [sflag:$0x1] =	stream.indirect.gather [hbm4b:s4+s15], $0x80, s22, s15, $0xb8;
	[tilespmem:$0x1CF80] =	vst v63  }
0x29: {  	p0 =	sne.s32 s21, $0x9B00;
	_ =	swait.ge [sflag:s17], $0x2800  }
.Ltmp0:
0x2a: {  	[sflag:s17] =	ssyncset.done $0x0;
	(pc) =	sbr.rel @p0 .LBB2_2-.Ltmp0, $4  }
0x2b: {  	[sflag:s17] =	ssyncadd.s32 $0xFFFFD800  }
0x2c: {  	[spmem:s2] =	stream.indirect.scatter.add.f32 [tilespmem:s16], [sflag:$0x2], $0x80, s19, s15, $0xb8;
	[tilespmem:$0x1CF80] =	vst v63  }
0x2d: {  	_ =	swait.ge [sflag:s12], $0x2800  }
0x2e: {  	s21 =	smov.u32 s23;
	s19 =	sadd.s32 $0x80, s19;
	[sflag:s12] =	ssyncset.done $0x0  }
0x2f: {  	s20 =	sshra.s32 s20, $0x2;
	[sflag:s12] =	ssyncadd.s32 $0xFFFFD800  }
0x30: {  	[tilespmem:s16], [sflag:$0x1] =	stream.indirect.gather [hbm4b:s4+s15], $0x80, s20, s15, $0xb8;
	[tilespmem:$0x1CF80] =	vst v63  }
0x31: {  	_ =	swait.ge [sflag:s17], $0x2800  }
0x32: {  	[sflag:s17] =	ssyncset.done $0x0  }
0x33: {  	[sflag:s17] =	ssyncadd.s32 $0xFFFFD800  }
0x34: {  	[spmem:s2] =	stream.indirect.scatter.add.f32 [tilespmem:s16], [sflag:$0x2], $0x80, s19, s15, $0xb8;
	[tilespmem:$0x1CF80] =	vst v63  }
0x35: {  	_ =	swait.ge [sflag:s12], $0x2800  }
0x36: {  	s18 =	sadd.s32 $0x1, s18;
	[sflag:s12] =	ssyncset.done $0x0  }
0x37: {  	p0 =	sne.s32 s18, s10;
	[sflag:s12] =	ssyncadd.s32 $0xFFFFD800  }
.Ltmp1:
0x38: {  	[bflag:$0x0] =	sbarrier.arrive $0xFFFF;
	(pc) =	sbr.rel @p0 .LBB2_1-.Ltmp1, $4  }
0x39: {  	[hbm:s9], [sflag:s6] =	dma.local [spmem:s11], $0x2800  }
0x3a: {  	_ =	swait.ge [sflag:s12], $0x2800  }
0x3b: {  	[sflag:s12] =	ssyncset.done $0x0  }
0x3c: {  	[sflag:s12] =	ssyncadd.s32 $0xFFFFD800  }
0x3d: {  	_ =	sfence.sel $0x180000  }
0x3e: {  	[bflag:$0x0] =	sbarrier.arrive $0xFFFF  }
0x3f: {  	p0 =	sne.s32 s0, $0x0;
	_ =	strace $0x90000050  }
0x40: {  	s0 =	sadd.s32 @!p0 $0x100000, s1;
	[bflag:$0x2] =	sbarrier.arrive $0xFFFF  }
0x41: {  	[sflag:s0] =	ssyncadd.tile.s32 @!p0 $0x1;
	_ =	shalt  }
.Lfunc_end2:
_tile_overlayer_lowered:
.L_overlay_start_2:
0x42: {  	(tag) =	ssettag $0x2  }
0x43: {  	s0 =	rddreg [dreg:$0x0];
	s2 =	stileid.u32  }
0x44: {  	s1 =	rddreg [dreg:$0x1];
	p0 =	sne.s32 s2, $0x0  }
0x45: {  	s3 =	rddreg [dreg:$0x2];
	[bflag:$0x3] =	sbarrier.arrive $0xFFFF;
	s2 =	simm.s32 @!p0 $0x1C02  }
0x46: {  	[timem:s3], [sflag:s2] =	dma.local @!p0 [hbm:s0], s1  }
0x47: {  	s0 =	simm.s32 @!p0 $0x2  }
0x48: {  	_ =	swait.ge @!p0 [sflag:s0], s1  }
0x49: {  	s1 =	ssub.s32 @!p0 $0x0, s1;
	[sflag:s0] =	ssyncset.done @!p0 $0x0  }
0x4a: {  	[sflag:s0] =	ssyncadd.s32 @!p0 s1  }
0x4b: {  	[bflag:$0x3] =	sbarrier.arrive $0xFFFF  }
0x4c: {  	_ =	shalt  }

// kernel: kernel.23.cloned.1.call-start
scs
__scs_entry_jumppad:
0x0: {  	(pc) =	sbr.rel $0x88, $3  }
0x1: {  	(tag) =	ssettag $0x0;
	lr =	simm.s32 $0x1  }
0x2: {  	[smem:$0x3F99] =	sst lr;
	_ =	strace $0xD0000000  }
0x3: {  	_ = 	snop  }
0x4: {  	_ = 	snop  }
0x5: {  	_ = 	snop  }
0x6: {  	_ = 	snop  }
0x7: {  	_ = 	snop  }
__scs_overlays_trampoline_lowered:
0x8: {  	[smem:$0x3FA8] =	sst s0  }
0x9: {  	[smem:$0x3FA9] =	sst s1  }
0xa: {  	[smem:$0x3FAA] =	sst s2  }
0xb: {  	[smem:$0x3FAB] =	sst s3  }
0xc: {  	[smem:$0x3FAC] =	sst s4  }
0xd: {  	[smem:$0x3FAD] =	sst s5  }
0xe: {  	[smem:$0x3FAE] =	sst s6  }
0xf: {  	[smem:$0x3FAF] =	sst s7  }
0x10: {  	[smem:$0x3FB0] =	sst s8  }
0x11: {  	[smem:$0x3FB1] =	sst s9;
	s0 =	simm.s32 @!p0 $0x0  }
0x12: {  	s1 =	sld [smem:$0x3F97];
	s0 =	simm.s32 @p0 $0x1  }
0x13: {  	[smem:$0x3FB2] =	sst s0;
	s0 =	simm.s32 @!p1 $0x0  }
0x14: {  	s2 =	sld [smem:$0x3F96];
	s0 =	simm.s32 @p1 $0x1  }
0x15: {  	[smem:$0x3FB3] =	sst s0;
	s0 =	simm.s32 @!p2 $0x0  }
0x16: {  	s3 =	sld [smem:$0x3FDB];
	s0 =	simm.s32 @p2 $0x1  }
0x17: {  	s4 =	simm.s32 $0x1BF5;
	[smem:$0x3FB5] =	sst s0  }
0x18: {  	s0 =	sld [smem:$0x3F98];
	_ =	swait.ge [sflag:s4], $0x0  }
0x19: {  	s7 =	sld [smem:$0x3F99]  }
0x1a: {  	s8 =	sadd.s32 $0xFFFFE003, lr  }
0x1b: {  	s9 =	sadd.s32 $0xFFFFFEF7, lr;
	s5 =	simm.s32 $0xFFFFFFFF;
	p2 =	slt.u32 s8, $0xFFFFF086  }
0x1c: {  	p1 =	slt.u32 s9, $0xF7A;
	s5 =	simm.s32 @!p2 $0x0  }
0x1d: {  	s5 =	simm.s32 @p1 $0x1;
	p0 =	seq.s32 s7, s2  }
0x1e: {  	s7 =	smul.u32 @!p0 $0xF7A, s2;
	p2 =	seq.s32 @!p0 s5, $0x0  }
0x1f: {  	s9 =	smul.u32 $0xF7A, s1;
	s8 =	simm.s32 @!p0 $0x1BF5;
	p2 =	por !p2, p0  }
0x20: {  	[sflag:s8] =	ssyncset.s32 @!p0 $0xFFFFF086;
	s6 =	sadd.s32 @!p0 s3, s7;
	s7 =	simm.s32 @!p0 $0x108  }
0x21: {  	s3 =	sadd.s32 s3, s9;
	s6 =	sadd.s32 @!p0 $0x88, s6;
	s7 =	simm.s32 @p2 $0x1082  }
0x22: {  	[simem:s7], [sflag:s8] =	dma.local @!p0 [hbm:s6], $0xF7A  }
0x23: {  	s9 =	sor.u32 $0xD0000000, s2;
	s6 =	simm.s32 $0x108;
	_ =	swait.ge @!p0 [sflag:s8], $0x0  }
0x24: {  	s3 =	sadd.s32 $0x88, s3;
	s6 =	simm.s32 @!p1 $0x1082;
	[sflag:s4] =	ssyncset.s32 $0xFFFFF086  }
0x25: {  	[simem:s6], [sflag:s4] =	dma.local [hbm:s3], $0xF7A  }
0x26: {  	[smem:$0x3F99] =	sst s1;
	(tag) =	ssettag s2;
	_ =	strace s9  }
0x27: {  	s1 =	sld [smem:$0x3FA9]  }
0x28: {  	s2 =	sld [smem:$0x3FAA]  }
0x29: {  	s4 =	sld [smem:$0x3FAC]  }
0x2a: {  	p0 =	seq.s32 s5, $0x0;
	s5 =	sld [smem:$0x3FAD]  }
0x2b: {  	s6 =	sld [smem:$0x3FAE]  }
0x2c: {  	s7 =	sld [smem:$0x3FAF]  }
0x2d: {  	s3 =	simm.s32 $0x108;
	s8 =	sld [smem:$0x3FB0]  }
0x2e: {  	s3 =	simm.s32 @!p0 $0x1082;
	s9 =	sld [smem:$0x3FB1]  }
0x2f: {  	lr =	sadd.s32 s0, s3;
	s0 =	sld [smem:$0x3FA8]  }
0x30: {  	s3 =	sld [smem:$0x3FAB]  }
0x31: {  	[smem:$0x3FB4] =	sst s10  }
0x32: {  	s10 =	sld [smem:$0x3FB2];
	_ =	sdelay $0x3  }
0x33: {  	p0 =	seq.s32 s10, $0x1;
	s10 =	sld [smem:$0x3FB4];
	_ =	sdelay $0x3  }
0x34: {  	[smem:$0x3FB4] =	sst s10  }
0x35: {  	s10 =	sld [smem:$0x3FB3];
	_ =	sdelay $0x3  }
0x36: {  	p1 =	seq.s32 s10, $0x1;
	s10 =	sld [smem:$0x3FB4];
	_ =	sdelay $0x3  }
0x37: {  	[smem:$0x3FB4] =	sst s10  }
0x38: {  	s10 =	sld [smem:$0x3FB5]  }
0x39: {  	_ = 	snop;
	(pc) =	sbr.ind lr, $3  }
0x3a: {  	_ = 	snop  }
0x3b: {  	_ = 	snop  }
0x3c: {  	p2 =	seq.s32 s10, $0x1;
	s10 =	sld [smem:$0x3FB4]  }
0x3d: {  	_ =	shalt  }
0x3e: {  	_ =	shalt  }
0x3f: {  	_ =	shalt  }
0x40: {  	_ =	shalt  }
0x41: {  	_ =	shalt  }
0x42: {  	_ =	shalt  }
0x43: {  	_ =	shalt  }
0x44: {  	_ =	shalt  }
0x45: {  	_ =	shalt  }
0x46: {  	_ =	shalt  }
0x47: {  	_ =	shalt  }
0x48: {  	_ =	shalt  }
0x49: {  	_ =	shalt  }
0x4a: {  	_ =	shalt  }
0x4b: {  	_ =	shalt  }
0x4c: {  	_ =	shalt  }
0x4d: {  	_ =	shalt  }
0x4e: {  	_ =	shalt  }
0x4f: {  	_ =	shalt  }
0x50: {  	_ =	shalt  }
0x51: {  	_ =	shalt  }
0x52: {  	_ =	shalt  }
0x53: {  	_ =	shalt  }
0x54: {  	_ =	shalt  }
0x55: {  	_ =	shalt  }
0x56: {  	_ =	shalt  }
0x57: {  	_ =	shalt  }
0x58: {  	_ =	shalt  }
0x59: {  	_ =	shalt  }
0x5a: {  	_ =	shalt  }
0x5b: {  	_ =	shalt  }
0x5c: {  	_ =	shalt  }
0x5d: {  	_ =	shalt  }
0x5e: {  	_ =	shalt  }
0x5f: {  	_ =	shalt  }
0x60: {  	_ =	shalt  }
0x61: {  	_ =	shalt  }
0x62: {  	_ =	shalt  }
0x63: {  	_ =	shalt  }
0x64: {  	_ =	shalt  }
0x65: {  	_ =	shalt  }
0x66: {  	_ =	shalt  }
0x67: {  	_ =	shalt  }
0x68: {  	_ =	shalt  }
0x69: {  	_ =	shalt  }
0x6a: {  	_ =	shalt  }
0x6b: {  	_ =	shalt  }
0x6c: {  	_ =	shalt  }
0x6d: {  	_ =	shalt  }
0x6e: {  	_ =	shalt  }
0x6f: {  	_ =	shalt  }
0x70: {  	_ =	shalt  }
0x71: {  	_ =	shalt  }
0x72: {  	_ =	shalt  }
0x73: {  	_ =	shalt  }
0x74: {  	_ =	shalt  }
0x75: {  	_ =	shalt  }
0x76: {  	_ =	shalt  }
0x77: {  	_ =	shalt  }
0x78: {  	_ =	shalt  }
0x79: {  	_ =	shalt  }
0x7a: {  	_ =	shalt  }
0x7b: {  	_ =	shalt  }
0x7c: {  	_ =	shalt  }
0x7d: {  	_ =	shalt  }
0x7e: {  	_ =	shalt  }
0x7f: {  	_ =	shalt  }
0x80: {  	_ =	shalt  }
0x81: {  	_ =	shalt  }
0x82: {  	_ =	shalt  }
0x83: {  	_ =	shalt  }
0x84: {  	_ =	shalt  }
0x85: {  	_ =	shalt  }
0x86: {  	_ =	shalt  }
0x87: {  	_ =	shalt  }
.Lfunc_end0:
.L_simem_size_0:
called_computation.4_lowered:
.L_overlay_start_0:
0x88: {  	s2 =	sld [smem:$0x3FD9]  }
0x89: {  	s3 =	sld [smem:$0x3FFE];
	_ =	sdelay $0x1  }
0x8a: {  	s1 =	srdreg.scid  }
0x8b: {  	s0 =	sand.u32 $0x1, s1  }
0x8c: {  	s16 =	sshll.u32 s0, $0xA;
	s2 =	sadd.s32 s3, s2  }
0x8d: {  	s2 =	sadd.s32 s2, s16  }
0x8e: {  	[smem:$0x3FC0] =	sst s2  }
0x8f: {  	_ = 	snop  }
0x90: {  	(tm) =	ssettm $0x1  }
0x91: {  	s17 =	sld [smem:$0x3FFB];
	_ =	sdelay $0x3  }
0x92: {  	_ =	strace s17  }
0x93: {  	s2 =	sld [smem:$0x3FFC];
	_ =	sdelay $0x3  }
0x94: {  	_ =	strace s2  }
0x95: {  	s2 =	sld [smem:$0x3FFD];
	_ =	sdelay $0x3  }
0x96: {  	_ =	strace s2  }
0x97: {  	_ =	strace $0x8FFFFFFF  }
0x98: {  	s18 =	sld [smem:$0x3FDB];
	_ =	sdelay $0x1  }
0x99: {  	s19 =	simm.s32 $_scs_section_size  }
0x9a: {  	s4 =	simm.s32 $_size__tile_overlayer_lowered;
	s5 =	simm.s32 $_tile_overlayer_lowered  }
0x9b: {  	s22 =	simm.s32 $0x1BFF;
	s21 =	sshll.u32 s5, $0x1;
	s2 =	sadd.s32 s19, s18  }
0x9c: {  	s6 =	simm.s32 $0x0;
	s20 =	sshll.u32 s4, $0x1;
	s4 =	sadd.s32 s21, s2  }
0x9d: {  	[timem:s6], [sflag:s22] =	dma.local [hbm:s4], s20  }
0x9e: {  	_ =	swait.ge [sflag:s22], s20  }
0x9f: {  	s3 =	ssub.s32 $0x0, s20;
	[sflag:s22] =	ssyncset.done $0x0  }
0xa0: {  	[sflag:s22] =	ssyncadd.s32 s3;
	_ =	sdelay $0x1  }
0xa1: {  	s23 =	simm.s32 $0x1B8B  }
0xa2: {  	_ =	swait.ge [sflag:s23], $0x1  }
0xa3: {  	[sflag:s23] =	ssyncset.done $0x0  }
0xa4: {  	s25 =	simm.s32 $0x1B8E;
	s24 =	sld [smem:$0x3FFE];
	[sflag:s23] =	ssyncadd.s32 $0xFFFFFFFF  }
0xa5: {  	s26 =	simm.s32 $execute0_lowered;
	[smem:$0x3FD2] =	sst s25  }
0xa6: {  	s4 =	sshll.u32 s26, $0x1;
	_ =	strace $0x80000052;
	[dreg:$0x1] =	wrdreg $0xFFFFFFFF  }
0xa7: {  	s28 =	simm.s32 $_size_execute0_lowered;
	s2 =	sadd.s32 s2, s4;
	[dreg:$0x0] =	wrdreg $0x0  }
0xa8: {  	s4 =	sshll.u32 s28, $0x1;
	[dreg:$0x2] =	wrdreg s2  }
0xa9: {  	[dreg:$0x3] =	wrdreg s4  }
0xaa: {  	[dreg:$0x4] =	wrdreg $0xC0  }
0xab: {  	_ =	task [dreg:s6], $0x5FFFF  }
0xac: {  	[dreg:$0x1] =	wrdreg $0xFFFFFFFF  }
0xad: {  	[dreg:$0x0] =	wrdreg $0x60  }
0xae: {  	[dreg:$0x2] =	wrdreg s24  }
0xaf: {  	[dreg:$0x3] =	wrdreg $0x8F800  }
0xb0: {  	[dreg:$0x4] =	wrdreg $0x9  }
0xb1: {  	_ =	task.clear_ibuf [dreg:s6], $0x5FFFF;
	_ =	strace $0x90000052  }
0xb2: {  	s29 =	simm.s32 $0x9;
	_ =	strace $0x80000054  }
0xb3: {  	_ =	swait.ge [sflag:s29], $0x1  }
0xb4: {  	[sflag:s29] =	ssyncadd.s32 $0xFFFFFFFF  }
0xb5: {  	_ =	strace $0x90000054  }
0xb6: {  	_ =	sfence  }
0xb7: {  	s30 =	sld [smem:$0x0];
	_ =	sdelay $0x2  }
0xb8: {  	s31 =	sshll.u32 s1, $0xD;
	s1 =	sshrl.u32 s1, $0x2  }
0xb9: {  	s3 =	sand.u32 $0x4000, s31;
	s1 =	sadd.s32 s1, s30  }
0xba: {  	s0 =	sor.u32 s3, s0;
	s1 =	sshll.u32 s1, $0x11  }
0xbb: {  	s0 =	sor.u32 s1, s0  }
0xbc: {  	s0 =	sadd.s32 $0x8F2B, s0  }
0xbd: {  	[sflag:s0] =	ssyncadd.remote.s32 $0x1  }
0xbe: {  	_ =	sfence.sel $0xFFFF  }
0xbf: {  	[dreg:$0x0] =	wrdreg $0xFFFFFFFF;
	(pc) =	sbr.abs _section_cstart, $3  }
0xc0: {  	[dreg:$0x1] =	wrdreg $0xFFFFFFFF  }
0xc1: {  	_ =	task.clear_ibuf [dreg:s6], $0x2FFFF;
	_ =	strace $0x9FFFFFFF  }
0xc2: {  	(tm) =	ssettm $0x7FFFFFFF  }
0xc3: {  	_ =	shalt  }
tec
execute0_lowered:
.L_overlay_start_1:
0x0: {  	(tag) =	ssettag $0x1  }
0x1: {  	s7 =	rddreg [dreg:$0x0]  }
0x2: {  	s0 =	srdreg.scid;
	s2 =	rddreg [dreg:$0x1];
	s3 =	simm.s32 $0x0  }
0x3: {  	s15 =	simm.s32 $0x50;
	s16 =	simm.s32 $0x6780;
	s17 =	simm.s32 $0x1  }
0x4: {  	s18 =	simm.s32 $0x0;
	s5 =	sand.u32 $0x1, s0;
	s0 =	stileid.u32  }
0x5: {  	[smem:$0x7FF] =	sst s3;
	s1 =	sshll.u32 s5, $0x4;
	s25 =	smul.u32 $0x14000, s0  }
0x6: {  	s8 =	sshll.u32 s0, $0x7;
	s10 =	smul.u32 $0x140000, s5;
	s5 =	ssub.s32 $0x2, s5  }
0x7: {  	s28 =	smul.u32 $0x50000, s0;
	s31 =	sshll.u32 s0, $0x6;
	s6 =	sor.u32 s0, s1  }
0x8: {  	s8 =	sand.u32 $0x380, s8;
	s29 =	sshrl.u32 s5, $0x1;
	s1 =	sshrl.u32 s6, $0x3  }
0x9: {  	s6 =	sshll.u32 s6, $0xB;
	s26 =	sshrl.u32 s25, $0x3;
	s13 =	ssub.s32 s5, s29  }
0xa: {  	s30 =	sshrl.u32 s28, $0x2;
	s4 =	smul.u32 $0x13C00, s1;
	s1 =	rddreg [dreg:$0x2]  }
0xb: {  	_ =	strace $0x80000053;
	s11 =	sadd.s32 s6, s7;
	s6 =	sadd.s32 s26, s7  }
0xc: {  	s14 =	sadd.s32 s30, s2;
	s5 =	sadd.s32 $0x37000, s6;
	s6 =	sor.u32 $0x1C02, s31  }
0xd: {  	s4 =	sor.u32 s8, s4;
	s8 =	sadd.s32 s25, s10;
	s10 =	smax.u32 s13, $0x1  }
0xe: {  	s13 =	simm.s32 $0x80;
	s9 =	sshrl.u32 s4, $0x3;
	s8 =	sshrl.u32 s8, $0x3  }
0xf: {  	s4 =	sadd.s32 $0x5F000, s7;
	s9 =	sadd.s32 s9, s7;
	s12 =	sadd.s32 s8, s7  }
0x10: {  	s8 =	sadd.s32 $0x27000, s11;
	s11 =	sshrl.u32 s14, $0x3;
	s14 =	simm.s32 $0x400  }
0x11: {  	s7 =	sadd.s32 $0x3400, s9;
	s9 =	sadd.s32 $0x87000, s12;
	s12 =	simm.s32 $0x2  }
.LBB2_1:
0x12: {  	[spmem:s11], [sflag:s6] =	dma.local [hbm:s5], $0x2800  }
0x13: {  	_ =	swait.ge [sflag:s12], $0x2800  }
0x14: {  	[sflag:s12] =	ssyncset.done $0x0  }
0x15: {  	[sflag:s12] =	ssyncadd.s32 $0xFFFFD800  }
0x16: {  	[tilespmem:s3], [sflag:$0x2] =	stream.strided.gather [hbm4b:s7+s13], $0x2780, s14, s13, $0x38;
	[tilespmem:$0x1CF80] =	vst v63  }
0x17: {  	_ =	swait.ge [sflag:s12], $0x2780  }
0x18: {  	[sflag:s12] =	ssyncset.done $0x0  }
0x19: {  	s19 =	simm.s32 $0x2780;
	[sflag:s12] =	ssyncadd.s32 $0xFFFFD880  }
0x1a: {  	[tilespmem:s19], [sflag:$0x2] =	stream.linear.gather [hbm4b:s8+s3], $0x3E80, $0x38;
	[tilespmem:$0x1CF80] =	vst v63  }
0x1b: {  	_ =	swait.ge [sflag:s12], $0x3E80  }
0x1c: {  	[sflag:s12] =	ssyncset.done $0x0  }
0x1d: {  	[sflag:s12] =	ssyncadd.s32 $0xFFFFC180  }
0x1e: {  	s20 =	simm.s32 $0x0;
	[bflag:$0x0] =	sbarrier.arrive $0xFFFF  }
0x1f: {  	[tilespmem:s16], [sflag:$0x1] =	stream.indirect.gather [hbm4b:s4+s15], $0x80, s20, s15, $0xb8;
	[tilespmem:$0x1CF80] =	vst v63  }
0x20: {  	_ =	swait.ge [sflag:s17], $0x2800  }
0x21: {  	[sflag:s17] =	ssyncset.done $0x0  }
0x22: {  	[sflag:s17] =	ssyncadd.s32 $0xFFFFD800  }
0x23: {  	[spmem:s2] =	stream.indirect.scatter.add.f32 [tilespmem:s16], [sflag:$0x2], $0x80, s19, s15, $0xb8;
	[tilespmem:$0x1CF80] =	vst v63  }
0x24: {  	s21 =	simm.s32 $0x280;
	_ =	swait.ge [sflag:s12], $0x2800  }
0x25: {  	s20 =	simm.s32 $0x140;
	s19 =	simm.s32 $0x2800;
	[sflag:s12] =	ssyncset.done $0x0  }
.LBB2_2:
0x26: {  	s22 =	sshra.s32 s20, $0x2  }
0x27: {  	[sflag:s12] =	ssyncadd.s32 $0xFFFFD800;
	s20 =	smov.u32 s21;
	s23 =	sadd.s32 $0x140, s21  }
0x28: {  	[tilespmem:s16], [sflag:$0x1] =	stream.indirect.gather [hbm4b:s4+s15], $0x80, s22, s15, $0xb8;
	[tilespmem:$0x1CF80] =	vst v63  }
0x29: {  	p0 =	sne.s32 s21, $0x9B00;
	_ =	swait.ge [sflag:s17], $0x2800  }
.Ltmp0:
0x2a: {  	[sflag:s17] =	ssyncset.done $0x0;
	(pc) =	sbr.rel @p0 .LBB2_2-.Ltmp0, $4  }
0x2b: {  	[sflag:s17] =	ssyncadd.s32 $0xFFFFD800  }
0x2c: {  	[spmem:s2] =	stream.indirect.scatter.add.f32 [tilespmem:s16], [sflag:$0x2], $0x80, s19, s15, $0xb8;
	[tilespmem:$0x1CF80] =	vst v63  }
0x2d: {  	_ =	swait.ge [sflag:s12], $0x2800  }
0x2e: {  	s21 =	smov.u32 s23;
	s19 =	sadd.s32 $0x80, s19;
	[sflag:s12] =	ssyncset.done $0x0  }
0x2f: {  	s20 =	sshra.s32 s20, $0x2;
	[sflag:s12] =	ssyncadd.s32 $0xFFFFD800  }
0x30: {  	[tilespmem:s16], [sflag:$0x1] =	stream.indirect.gather [hbm4b:s4+s15], $0x80, s20, s15, $0xb8;
	[tilespmem:$0x1CF80] =	vst v63  }
0x31: {  	_ =	swait.ge [sflag:s17], $0x2800  }
0x32: {  	[sflag:s17] =	ssyncset.done $0x0  }
0x33: {  	[sflag:s17] =	ssyncadd.s32 $0xFFFFD800  }
0x34: {  	[spmem:s2] =	stream.indirect.scatter.add.f32 [tilespmem:s16], [sflag:$0x2], $0x80, s19, s15, $0xb8;
	[tilespmem:$0x1CF80] =	vst v63  }
0x35: {  	_ =	swait.ge [sflag:s12], $0x2800  }
0x36: {  	s18 =	sadd.s32 $0x1, s18;
	[sflag:s12] =	ssyncset.done $0x0  }
0x37: {  	p0 =	sne.s32 s18, s10;
	[sflag:s12] =	ssyncadd.s32 $0xFFFFD800  }
.Ltmp1:
0x38: {  	[bflag:$0x0] =	sbarrier.arrive $0xFFFF;
	(pc) =	sbr.rel @p0 .LBB2_1-.Ltmp1, $4  }
0x39: {  	[hbm:s9], [sflag:s6] =	dma.local [spmem:s11], $0x2800  }
0x3a: {  	_ =	swait.ge [sflag:s12], $0x2800  }
0x3b: {  	[sflag:s12] =	ssyncset.done $0x0  }
0x3c: {  	[sflag:s12] =	ssyncadd.s32 $0xFFFFD800  }
0x3d: {  	_ =	sfence.sel $0x180000  }
0x3e: {  	[bflag:$0x0] =	sbarrier.arrive $0xFFFF  }
0x3f: {  	p0 =	sne.s32 s0, $0x0;
	_ =	strace $0x90000053  }
0x40: {  	s0 =	sadd.s32 @!p0 $0x100000, s1;
	[bflag:$0x2] =	sbarrier.arrive $0xFFFF  }
0x41: {  	[sflag:s0] =	ssyncadd.tile.s32 @!p0 $0x1;
	_ =	shalt  }
.Lfunc_end2:
_tile_overlayer_lowered:
.L_overlay_start_2:
0x42: {  	(tag) =	ssettag $0x2  }
0x43: {  	s0 =	rddreg [dreg:$0x0];
	s2 =	stileid.u32  }
0x44: {  	s1 =	rddreg [dreg:$0x1];
	p0 =	sne.s32 s2, $0x0  }
0x45: {  	s3 =	rddreg [dreg:$0x2];
	[bflag:$0x3] =	sbarrier.arrive $0xFFFF;
	s2 =	simm.s32 @!p0 $0x1C02  }
0x46: {  	[timem:s3], [sflag:s2] =	dma.local @!p0 [hbm:s0], s1  }
0x47: {  	s0 =	simm.s32 @!p0 $0x2  }
0x48: {  	_ =	swait.ge @!p0 [sflag:s0], s1  }
0x49: {  	s1 =	ssub.s32 @!p0 $0x0, s1;
	[sflag:s0] =	ssyncset.done @!p0 $0x0  }
0x4a: {  	[sflag:s0] =	ssyncadd.s32 @!p0 s1  }
0x4b: {  	[bflag:$0x3] =	sbarrier.arrive $0xFFFF  }
0x4c: {  	_ =	shalt  }

</sc_bundles>
